<compile_context>
chip_gen: v7x
topology: tpu7x:2x2x1
jax: 0.10.2.dev20260603
libtpu: 0.0.44.dev20260713+nightly
codegen_flags: <defaults>
</compile_context>

<pallas_src>
import functools

import jax
import jax.numpy as jnp
from jax import lax
from jax.experimental import pallas as pl
from jax.experimental.pallas import tpu as pltpu
from jax.experimental.pallas import tpu_sc as plsc

NC, NS = 2, 16
NW = NC * NS
B = 32768
D = 1024
BPW = B // NW
C = 16
NCHUNK = BPW // C
NBUF = 6

_MESH = plsc.VectorSubcoreMesh(
    core_axis_name="c", subcore_axis_name="s", num_cores=NC, num_subcores=NS
)


@functools.partial(
    pl.kernel,
    out_type=jax.ShapeDtypeStruct((B, D), jnp.float32),
    mesh=_MESH,
    scratch_types=[
        pltpu.VMEM((BPW,), jnp.int32),
        [pltpu.VMEM((C, D), jnp.float32) for _ in range(NBUF)],
        [pltpu.SemaphoreType.DMA for _ in range(NBUF)],
        [pltpu.SemaphoreType.DMA for _ in range(NBUF)],
    ],
)
def _gather(pos_hbm, table_hbm, out_hbm, idx_v, rows, gsem, osem):
    wid = lax.axis_index("s") * NC + lax.axis_index("c")
    base = wid * BPW
    pltpu.sync_copy(pos_hbm.at[pl.ds(base, BPW)], idx_v)

    def start_gather(g, b):
        pltpu.async_copy(table_hbm.at[idx_v.at[pl.ds(g * C, C)]], rows[b], gsem[b])

    def wait_gather(b):
        pltpu.make_async_copy(table_hbm.at[pl.ds(0, C)], rows[b], gsem[b]).wait()

    def start_wb(g, b):
        pltpu.async_copy(rows[b], out_hbm.at[pl.ds(base + g * C, C)], osem[b])

    def wait_wb(b):
        pltpu.make_async_copy(rows[b], out_hbm.at[pl.ds(base, C)], osem[b]).wait()

    def slot(gg, b, lookahead, first_round):
        wait_gather(b)
        start_wb(gg, b)
        if lookahead:
            tbuf = (b - 1) % NBUF
            if not first_round:
                wait_wb(tbuf)
            start_gather(gg + NBUF - 1, tbuf)

    for k in range(NBUF - 1):
        start_gather(k, k)

    for gg in range(NBUF):
        slot(gg, gg % NBUF, True, gg == 0)

    last_la = NCHUNK - NBUF
    n_loop = (last_la + 1 - NBUF) // NBUF
    loop_end = NBUF + n_loop * NBUF

    @pl.loop(NBUF, loop_end, step=NBUF)
    def _rot(g):
        for ss in range(NBUF):
            slot(g + ss, ss, True, False)

    for gg in range(loop_end, last_la + 1):
        slot(gg, gg % NBUF, True, False)

    for gg in range(last_la + 1, NCHUNK):
        slot(gg, gg % NBUF, False, False)

    for g in range(NCHUNK - NBUF, NCHUNK):
        wait_wb(g % NBUF)


def kernel(position, weight):
    return _gather(position.astype(jnp.int32), weight)

# --- scband reference (transcript-rebuilt; emitter-appended) ---
"""Pipeline reference for scband-trigonometric-positional-embedding-46462956208699 (READ-ONLY COPY).

The authoritative reference and input builder live on the scoring server;
editing this copy changes nothing except your own understanding.
"""

import math
import jax, jax.numpy as jnp
import numpy as np

EMBEDDING_NUMBER = 8192
DIMENSION = 1024
PADDING_IDX = 0


def make_weight(embedding_number, dimension):
    position = jnp.arange(0, embedding_number, dtype=jnp.float32)[:, None]
    sin_multiplicator = jnp.exp(-(math.log(10000.0) / dimension) * 2.0 * jnp.arange(0, dimension, 2, dtype=jnp.float32))
    cos_multiplicator = jnp.exp(-(math.log(10000.0) / dimension) * 2.0 * jnp.arange(1, dimension, 2, dtype=jnp.float32))
    sin_weight = jnp.sin(position * sin_multiplicator)
    cos_weight = jnp.cos(position * cos_multiplicator)
    weight = jnp.zeros((embedding_number, dimension), dtype=jnp.float32)
    weight = weight.at[:, 0::2].set(sin_weight)
    weight = weight.at[:, 1::2].set(cos_weight)
    weight = weight.at[PADDING_IDX].set(0.0)
    return weight


def setup_inputs(seed: int = 0) -> dict:
    key = jax.random.key(seed)
    position = jax.random.randint(key, (32768,), 0, EMBEDDING_NUMBER, dtype=jnp.int64 if jax.config.jax_enable_x64 else jnp.int32)
    weight = make_weight(EMBEDDING_NUMBER, DIMENSION)
    return {"position": position, "weight": weight}


def reference(position, weight):
    # torch.index_select(self.weight, 0, position)
    return jnp.take(weight, position, axis=0)

if __name__ == "__main__":
    import jax
    _d = setup_inputs()
    print(jax.jit(kernel)(*tuple(_d.values())))

</pallas_src>

<mosaic_0001>
#map = affine_map<(d0, d1) -> (0)>
#map1 = affine_map<(d0, d1) -> (0, 0)>
module attributes {stable_mosaic.version = 14 : i64} {
  func.func @_gather(%arg0: i32, %arg1: i32, %arg2: memref<32768xi32, #tpu.memory_space<hbm>>, %arg3: memref<8192x1024xf32, #tpu.memory_space<hbm>>, %arg4: memref<32768x1024xf32, #tpu.memory_space<hbm>>, %arg5: memref<1024xi32, #tpu.memory_space<vmem>>, %arg6: memref<16x1024xf32, #tpu.memory_space<vmem>>, %arg7: memref<16x1024xf32, #tpu.memory_space<vmem>>, %arg8: memref<16x1024xf32, #tpu.memory_space<vmem>>, %arg9: memref<16x1024xf32, #tpu.memory_space<vmem>>, %arg10: memref<16x1024xf32, #tpu.memory_space<vmem>>, %arg11: memref<16x1024xf32, #tpu.memory_space<vmem>>, %arg12: memref<!tpu.dma_semaphore, #tpu.memory_space<semaphore_mem>>, %arg13: memref<!tpu.dma_semaphore, #tpu.memory_space<semaphore_mem>>, %arg14: memref<!tpu.dma_semaphore, #tpu.memory_space<semaphore_mem>>, %arg15: memref<!tpu.dma_semaphore, #tpu.memory_space<semaphore_mem>>, %arg16: memref<!tpu.dma_semaphore, #tpu.memory_space<semaphore_mem>>, %arg17: memref<!tpu.dma_semaphore, #tpu.memory_space<semaphore_mem>>, %arg18: memref<!tpu.dma_semaphore, #tpu.memory_space<semaphore_mem>>, %arg19: memref<!tpu.dma_semaphore, #tpu.memory_space<semaphore_mem>>, %arg20: memref<!tpu.dma_semaphore, #tpu.memory_space<semaphore_mem>>, %arg21: memref<!tpu.dma_semaphore, #tpu.memory_space<semaphore_mem>>, %arg22: memref<!tpu.dma_semaphore, #tpu.memory_space<semaphore_mem>>, %arg23: memref<!tpu.dma_semaphore, #tpu.memory_space<semaphore_mem>>) attributes {dimension_semantics = [#tpu.dimension_semantics<core_parallel>, #tpu.dimension_semantics<subcore_parallel>], iteration_bounds = array<i64: 2, 16>, scalar_prefetch = 0 : i64, scratch_operands = 19 : i64, tpu.core_type = #tpu.core_type<sc_vector_subcore>, window_params = [{transform_indices = #map}, {transform_indices = #map1}, {transform_indices = #map1}]} {
    %mul3A = arith.constant 2 : i32
    %mul3A_0 = arith.muli %arg1, %mul3A : i32
    %add3A = arith.addi %mul3A_0, %arg0 : i32
    %mul3A_1 = arith.constant 1024 : i32
    %mul3A_2 = arith.muli %add3A, %mul3A_1 : i32
    "tpu.region"() ({
      %run_scoped3A = tpu.sem_alloc : memref<!tpu.dma_semaphore, #tpu.memory_space<semaphore_mem>>
      %dma_start3A_341 = tpu.memref_slice %arg2[%mul3A_2] : memref<32768xi32, #tpu.memory_space<hbm>> -> memref<1024xi32, #tpu.memory_space<hbm>>
      %dma_start3A_342 = tpu.memref_slice %arg2[%mul3A_2] : memref<32768xi32, #tpu.memory_space<hbm>> -> memref<1024xi32, #tpu.memory_space<hbm>>
      tpu.enqueue_dma source(%dma_start3A_342 : memref<1024xi32, #tpu.memory_space<hbm>>) target(%arg5 : memref<1024xi32, #tpu.memory_space<vmem>>) target_semaphore(%run_scoped3A : memref<!tpu.dma_semaphore, #tpu.memory_space<semaphore_mem>>)
      %dma_wait3A_343 = tpu.memref_slice %arg2[%mul3A_2] : memref<32768xi32, #tpu.memory_space<hbm>> -> memref<1024xi32, #tpu.memory_space<hbm>>
      %dma_wait3A_344 = tpu.memref_slice %arg2[%mul3A_2] : memref<32768xi32, #tpu.memory_space<hbm>> -> memref<1024xi32, #tpu.memory_space<hbm>>
      tpu.wait_dma2 semaphore(%run_scoped3A : memref<!tpu.dma_semaphore, #tpu.memory_space<semaphore_mem>>) src(%dma_wait3A_344 : memref<1024xi32, #tpu.memory_space<hbm>>) dst(%arg5 : memref<1024xi32, #tpu.memory_space<vmem>>)
      tpu.yield
    }) : () -> ()
    %dma_start3A = arith.constant 0 : i32
    %dma_start3A_3 = tpu.memref_slice %arg5[%dma_start3A] : memref<1024xi32, #tpu.memory_space<vmem>> -> memref<16xi32, #tpu.memory_space<vmem>>
    %dma_start3A_4 = arith.constant 0 : i32
    %dma_start3A_5 = arith.constant 0 : i32
    %dma_start3A_6 = tpu.memref_slice %arg3[%dma_start3A_4, %dma_start3A_5] : memref<8192x1024xf32, #tpu.memory_space<hbm>> -> memref<8192x1024xf32, #tpu.memory_space<hbm>>
    tpu.enqueue_indirect_dma source(%dma_start3A_6 : memref<8192x1024xf32, #tpu.memory_space<hbm>>) target(%arg6 : memref<16x1024xf32, #tpu.memory_space<vmem>>) offsets(%dma_start3A_3 : memref<16xi32, #tpu.memory_space<vmem>>) semaphore(%arg12 : memref<!tpu.dma_semaphore, #tpu.memory_space<semaphore_mem>>)
    %dma_start3A_7 = arith.constant 16 : i32
    %dma_start3A_8 = tpu.memref_slice %arg5[%dma_start3A_7] : memref<1024xi32, #tpu.memory_space<vmem>> -> memref<16xi32, #tpu.memory_space<vmem>>
    %dma_start3A_9 = arith.constant 0 : i32
    %dma_start3A_10 = arith.constant 0 : i32
    %dma_start3A_11 = tpu.memref_slice %arg3[%dma_start3A_9, %dma_start3A_10] : memref<8192x1024xf32, #tpu.memory_space<hbm>> -> memref<8192x1024xf32, #tpu.memory_space<hbm>>
    tpu.enqueue_indirect_dma source(%dma_start3A_11 : memref<8192x1024xf32, #tpu.memory_space<hbm>>) target(%arg7 : memref<16x1024xf32, #tpu.memory_space<vmem>>) offsets(%dma_start3A_8 : memref<16xi32, #tpu.memory_space<vmem>>) semaphore(%arg13 : memref<!tpu.dma_semaphore, #tpu.memory_space<semaphore_mem>>)
    %dma_start3A_12 = arith.constant 32 : i32
    %dma_start3A_13 = tpu.memref_slice %arg5[%dma_start3A_12] : memref<1024xi32, #tpu.memory_space<vmem>> -> memref<16xi32, #tpu.memory_space<vmem>>
    %dma_start3A_14 = arith.constant 0 : i32
    %dma_start3A_15 = arith.constant 0 : i32
    %dma_start3A_16 = tpu.memref_slice %arg3[%dma_start3A_14, %dma_start3A_15] : memref<8192x1024xf32, #tpu.memory_space<hbm>> -> memref<8192x1024xf32, #tpu.memory_space<hbm>>
    tpu.enqueue_indirect_dma source(%dma_start3A_16 : memref<8192x1024xf32, #tpu.memory_space<hbm>>) target(%arg8 : memref<16x1024xf32, #tpu.memory_space<vmem>>) offsets(%dma_start3A_13 : memref<16xi32, #tpu.memory_space<vmem>>) semaphore(%arg14 : memref<!tpu.dma_semaphore, #tpu.memory_space<semaphore_mem>>)
    %dma_start3A_17 = arith.constant 48 : i32
    %dma_start3A_18 = tpu.memref_slice %arg5[%dma_start3A_17] : memref<1024xi32, #tpu.memory_space<vmem>> -> memref<16xi32, #tpu.memory_space<vmem>>
    %dma_start3A_19 = arith.constant 0 : i32
    %dma_start3A_20 = arith.constant 0 : i32
    %dma_start3A_21 = tpu.memref_slice %arg3[%dma_start3A_19, %dma_start3A_20] : memref<8192x1024xf32, #tpu.memory_space<hbm>> -> memref<8192x1024xf32, #tpu.memory_space<hbm>>
    tpu.enqueue_indirect_dma source(%dma_start3A_21 : memref<8192x1024xf32, #tpu.memory_space<hbm>>) target(%arg9 : memref<16x1024xf32, #tpu.memory_space<vmem>>) offsets(%dma_start3A_18 : memref<16xi32, #tpu.memory_space<vmem>>) semaphore(%arg15 : memref<!tpu.dma_semaphore, #tpu.memory_space<semaphore_mem>>)
    %dma_start3A_22 = arith.constant 64 : i32
    %dma_start3A_23 = tpu.memref_slice %arg5[%dma_start3A_22] : memref<1024xi32, #tpu.memory_space<vmem>> -> memref<16xi32, #tpu.memory_space<vmem>>
    %dma_start3A_24 = arith.constant 0 : i32
    %dma_start3A_25 = arith.constant 0 : i32
    %dma_start3A_26 = tpu.memref_slice %arg3[%dma_start3A_24, %dma_start3A_25] : memref<8192x1024xf32, #tpu.memory_space<hbm>> -> memref<8192x1024xf32, #tpu.memory_space<hbm>>
    tpu.enqueue_indirect_dma source(%dma_start3A_26 : memref<8192x1024xf32, #tpu.memory_space<hbm>>) target(%arg10 : memref<16x1024xf32, #tpu.memory_space<vmem>>) offsets(%dma_start3A_23 : memref<16xi32, #tpu.memory_space<vmem>>) semaphore(%arg16 : memref<!tpu.dma_semaphore, #tpu.memory_space<semaphore_mem>>)
    %dma_wait3A = arith.constant 0 : i32
    %dma_wait3A_27 = arith.constant 0 : i32
    %dma_wait3A_28 = tpu.memref_slice %arg3[%dma_wait3A, %dma_wait3A_27] : memref<8192x1024xf32, #tpu.memory_space<hbm>> -> memref<16x1024xf32, #tpu.memory_space<hbm>>
    %dma_wait3A_29 = arith.constant 0 : i32
    %dma_wait3A_30 = arith.constant 0 : i32
    %dma_wait3A_31 = tpu.memref_slice %arg3[%dma_wait3A_29, %dma_wait3A_30] : memref<8192x1024xf32, #tpu.memory_space<hbm>> -> memref<16x1024xf32, #tpu.memory_space<hbm>>
    tpu.wait_dma2 semaphore(%arg12 : memref<!tpu.dma_semaphore, #tpu.memory_space<semaphore_mem>>) src(%dma_wait3A_31 : memref<16x1024xf32, #tpu.memory_space<hbm>>) dst(%arg6 : memref<16x1024xf32, #tpu.memory_space<vmem>>)
    %add3A_32 = arith.constant 0 : i32
    %add3A_33 = arith.addi %mul3A_2, %add3A_32 : i32
    %dma_start3A_34 = arith.constant 0 : i32
    %dma_start3A_35 = tpu.memref_slice %arg4[%add3A_33, %dma_start3A_34] : memref<32768x1024xf32, #tpu.memory_space<hbm>> -> memref<16x1024xf32, #tpu.memory_space<hbm>>
    %dma_start3A_36 = arith.constant 0 : i32
    %dma_start3A_37 = tpu.memref_slice %arg4[%add3A_33, %dma_start3A_36] : memref<32768x1024xf32, #tpu.memory_space<hbm>> -> memref<16x1024xf32, #tpu.memory_space<hbm>>
    tpu.enqueue_dma source(%arg6 : memref<16x1024xf32, #tpu.memory_space<vmem>>) target(%dma_start3A_37 : memref<16x1024xf32, #tpu.memory_space<hbm>>) target_semaphore(%arg18 : memref<!tpu.dma_semaphore, #tpu.memory_space<semaphore_mem>>)
    %dma_start3A_38 = arith.constant 80 : i32
    %dma_start3A_39 = tpu.memref_slice %arg5[%dma_start3A_38] : memref<1024xi32, #tpu.memory_space<vmem>> -> memref<16xi32, #tpu.memory_space<vmem>>
    %dma_start3A_40 = arith.constant 0 : i32
    %dma_start3A_41 = arith.constant 0 : i32
    %dma_start3A_42 = tpu.memref_slice %arg3[%dma_start3A_40, %dma_start3A_41] : memref<8192x1024xf32, #tpu.memory_space<hbm>> -> memref<8192x1024xf32, #tpu.memory_space<hbm>>
    tpu.enqueue_indirect_dma source(%dma_start3A_42 : memref<8192x1024xf32, #tpu.memory_space<hbm>>) target(%arg11 : memref<16x1024xf32, #tpu.memory_space<vmem>>) offsets(%dma_start3A_39 : memref<16xi32, #tpu.memory_space<vmem>>) semaphore(%arg17 : memref<!tpu.dma_semaphore, #tpu.memory_space<semaphore_mem>>)
    %dma_wait3A_43 = arith.constant 0 : i32
    %dma_wait3A_44 = arith.constant 0 : i32
    %dma_wait3A_45 = tpu.memref_slice %arg3[%dma_wait3A_43, %dma_wait3A_44] : memref<8192x1024xf32, #tpu.memory_space<hbm>> -> memref<16x1024xf32, #tpu.memory_space<hbm>>
    %dma_wait3A_46 = arith.constant 0 : i32
    %dma_wait3A_47 = arith.constant 0 : i32
    %dma_wait3A_48 = tpu.memref_slice %arg3[%dma_wait3A_46, %dma_wait3A_47] : memref<8192x1024xf32, #tpu.memory_space<hbm>> -> memref<16x1024xf32, #tpu.memory_space<hbm>>
    tpu.wait_dma2 semaphore(%arg13 : memref<!tpu.dma_semaphore, #tpu.memory_space<semaphore_mem>>) src(%dma_wait3A_48 : memref<16x1024xf32, #tpu.memory_space<hbm>>) dst(%arg7 : memref<16x1024xf32, #tpu.memory_space<vmem>>)
    %add3A_49 = arith.constant 16 : i32
    %add3A_50 = arith.addi %mul3A_2, %add3A_49 : i32
    %dma_start3A_51 = arith.constant 0 : i32
    %dma_start3A_52 = tpu.memref_slice %arg4[%add3A_50, %dma_start3A_51] : memref<32768x1024xf32, #tpu.memory_space<hbm>> -> memref<16x1024xf32, #tpu.memory_space<hbm>>
    %dma_start3A_53 = arith.constant 0 : i32
    %dma_start3A_54 = tpu.memref_slice %arg4[%add3A_50, %dma_start3A_53] : memref<32768x1024xf32, #tpu.memory_space<hbm>> -> memref<16x1024xf32, #tpu.memory_space<hbm>>
    tpu.enqueue_dma source(%arg7 : memref<16x1024xf32, #tpu.memory_space<vmem>>) target(%dma_start3A_54 : memref<16x1024xf32, #tpu.memory_space<hbm>>) target_semaphore(%arg19 : memref<!tpu.dma_semaphore, #tpu.memory_space<semaphore_mem>>)
    %dma_wait3A_55 = arith.constant 0 : i32
    %dma_wait3A_56 = tpu.memref_slice %arg4[%mul3A_2, %dma_wait3A_55] : memref<32768x1024xf32, #tpu.memory_space<hbm>> -> memref<16x1024xf32, #tpu.memory_space<hbm>>
    %dma_wait3A_57 = arith.constant 0 : i32
    %dma_wait3A_58 = tpu.memref_slice %arg4[%mul3A_2, %dma_wait3A_57] : memref<32768x1024xf32, #tpu.memory_space<hbm>> -> memref<16x1024xf32, #tpu.memory_space<hbm>>
    tpu.wait_dma2 semaphore(%arg18 : memref<!tpu.dma_semaphore, #tpu.memory_space<semaphore_mem>>) src(%arg6 : memref<16x1024xf32, #tpu.memory_space<vmem>>) dst(%dma_wait3A_58 : memref<16x1024xf32, #tpu.memory_space<hbm>>)
    %dma_start3A_59 = arith.constant 96 : i32
    %dma_start3A_60 = tpu.memref_slice %arg5[%dma_start3A_59] : memref<1024xi32, #tpu.memory_space<vmem>> -> memref<16xi32, #tpu.memory_space<vmem>>
    %dma_start3A_61 = arith.constant 0 : i32
    %dma_start3A_62 = arith.constant 0 : i32
    %dma_start3A_63 = tpu.memref_slice %arg3[%dma_start3A_61, %dma_start3A_62] : memref<8192x1024xf32, #tpu.memory_space<hbm>> -> memref<8192x1024xf32, #tpu.memory_space<hbm>>
    tpu.enqueue_indirect_dma source(%dma_start3A_63 : memref<8192x1024xf32, #tpu.memory_space<hbm>>) target(%arg6 : memref<16x1024xf32, #tpu.memory_space<vmem>>) offsets(%dma_start3A_60 : memref<16xi32, #tpu.memory_space<vmem>>) semaphore(%arg12 : memref<!tpu.dma_semaphore, #tpu.memory_space<semaphore_mem>>)
    %dma_wait3A_64 = arith.constant 0 : i32
    %dma_wait3A_65 = arith.constant 0 : i32
    %dma_wait3A_66 = tpu.memref_slice %arg3[%dma_wait3A_64, %dma_wait3A_65] : memref<8192x1024xf32, #tpu.memory_space<hbm>> -> memref<16x1024xf32, #tpu.memory_space<hbm>>
    %dma_wait3A_67 = arith.constant 0 : i32
    %dma_wait3A_68 = arith.constant 0 : i32
    %dma_wait3A_69 = tpu.memref_slice %arg3[%dma_wait3A_67, %dma_wait3A_68] : memref<8192x1024xf32, #tpu.memory_space<hbm>> -> memref<16x1024xf32, #tpu.memory_space<hbm>>
    tpu.wait_dma2 semaphore(%arg14 : memref<!tpu.dma_semaphore, #tpu.memory_space<semaphore_mem>>) src(%dma_wait3A_69 : memref<16x1024xf32, #tpu.memory_space<hbm>>) dst(%arg8 : memref<16x1024xf32, #tpu.memory_space<vmem>>)
    %add3A_70 = arith.constant 32 : i32
    %add3A_71 = arith.addi %mul3A_2, %add3A_70 : i32
    %dma_start3A_72 = arith.constant 0 : i32
    %dma_start3A_73 = tpu.memref_slice %arg4[%add3A_71, %dma_start3A_72] : memref<32768x1024xf32, #tpu.memory_space<hbm>> -> memref<16x1024xf32, #tpu.memory_space<hbm>>
    %dma_start3A_74 = arith.constant 0 : i32
    %dma_start3A_75 = tpu.memref_slice %arg4[%add3A_71, %dma_start3A_74] : memref<32768x1024xf32, #tpu.memory_space<hbm>> -> memref<16x1024xf32, #tpu.memory_space<hbm>>
    tpu.enqueue_dma source(%arg8 : memref<16x1024xf32, #tpu.memory_space<vmem>>) target(%dma_start3A_75 : memref<16x1024xf32, #tpu.memory_space<hbm>>) target_semaphore(%arg20 : memref<!tpu.dma_semaphore, #tpu.memory_space<semaphore_mem>>)
    %dma_wait3A_76 = arith.constant 0 : i32
    %dma_wait3A_77 = tpu.memref_slice %arg4[%mul3A_2, %dma_wait3A_76] : memref<32768x1024xf32, #tpu.memory_space<hbm>> -> memref<16x1024xf32, #tpu.memory_space<hbm>>
    %dma_wait3A_78 = arith.constant 0 : i32
    %dma_wait3A_79 = tpu.memref_slice %arg4[%mul3A_2, %dma_wait3A_78] : memref<32768x1024xf32, #tpu.memory_space<hbm>> -> memref<16x1024xf32, #tpu.memory_space<hbm>>
    tpu.wait_dma2 semaphore(%arg19 : memref<!tpu.dma_semaphore, #tpu.memory_space<semaphore_mem>>) src(%arg7 : memref<16x1024xf32, #tpu.memory_space<vmem>>) dst(%dma_wait3A_79 : memref<16x1024xf32, #tpu.memory_space<hbm>>)
    %dma_start3A_80 = arith.constant 112 : i32
    %dma_start3A_81 = tpu.memref_slice %arg5[%dma_start3A_80] : memref<1024xi32, #tpu.memory_space<vmem>> -> memref<16xi32, #tpu.memory_space<vmem>>
    %dma_start3A_82 = arith.constant 0 : i32
    %dma_start3A_83 = arith.constant 0 : i32
    %dma_start3A_84 = tpu.memref_slice %arg3[%dma_start3A_82, %dma_start3A_83] : memref<8192x1024xf32, #tpu.memory_space<hbm>> -> memref<8192x1024xf32, #tpu.memory_space<hbm>>
    tpu.enqueue_indirect_dma source(%dma_start3A_84 : memref<8192x1024xf32, #tpu.memory_space<hbm>>) target(%arg7 : memref<16x1024xf32, #tpu.memory_space<vmem>>) offsets(%dma_start3A_81 : memref<16xi32, #tpu.memory_space<vmem>>) semaphore(%arg13 : memref<!tpu.dma_semaphore, #tpu.memory_space<semaphore_mem>>)
    %dma_wait3A_85 = arith.constant 0 : i32
    %dma_wait3A_86 = arith.constant 0 : i32
    %dma_wait3A_87 = tpu.memref_slice %arg3[%dma_wait3A_85, %dma_wait3A_86] : memref<8192x1024xf32, #tpu.memory_space<hbm>> -> memref<16x1024xf32, #tpu.memory_space<hbm>>
    %dma_wait3A_88 = arith.constant 0 : i32
    %dma_wait3A_89 = arith.constant 0 : i32
    %dma_wait3A_90 = tpu.memref_slice %arg3[%dma_wait3A_88, %dma_wait3A_89] : memref<8192x1024xf32, #tpu.memory_space<hbm>> -> memref<16x1024xf32, #tpu.memory_space<hbm>>
    tpu.wait_dma2 semaphore(%arg15 : memref<!tpu.dma_semaphore, #tpu.memory_space<semaphore_mem>>) src(%dma_wait3A_90 : memref<16x1024xf32, #tpu.memory_space<hbm>>) dst(%arg9 : memref<16x1024xf32, #tpu.memory_space<vmem>>)
    %add3A_91 = arith.constant 48 : i32
    %add3A_92 = arith.addi %mul3A_2, %add3A_91 : i32
    %dma_start3A_93 = arith.constant 0 : i32
    %dma_start3A_94 = tpu.memref_slice %arg4[%add3A_92, %dma_start3A_93] : memref<32768x1024xf32, #tpu.memory_space<hbm>> -> memref<16x1024xf32, #tpu.memory_space<hbm>>
    %dma_start3A_95 = arith.constant 0 : i32
    %dma_start3A_96 = tpu.memref_slice %arg4[%add3A_92, %dma_start3A_95] : memref<32768x1024xf32, #tpu.memory_space<hbm>> -> memref<16x1024xf32, #tpu.memory_space<hbm>>
    tpu.enqueue_dma source(%arg9 : memref<16x1024xf32, #tpu.memory_space<vmem>>) target(%dma_start3A_96 : memref<16x1024xf32, #tpu.memory_space<hbm>>) target_semaphore(%arg21 : memref<!tpu.dma_semaphore, #tpu.memory_space<semaphore_mem>>)
    %dma_wait3A_97 = arith.constant 0 : i32
    %dma_wait3A_98 = tpu.memref_slice %arg4[%mul3A_2, %dma_wait3A_97] : memref<32768x1024xf32, #tpu.memory_space<hbm>> -> memref<16x1024xf32, #tpu.memory_space<hbm>>
    %dma_wait3A_99 = arith.constant 0 : i32
    %dma_wait3A_100 = tpu.memref_slice %arg4[%mul3A_2, %dma_wait3A_99] : memref<32768x1024xf32, #tpu.memory_space<hbm>> -> memref<16x1024xf32, #tpu.memory_space<hbm>>
    tpu.wait_dma2 semaphore(%arg20 : memref<!tpu.dma_semaphore, #tpu.memory_space<semaphore_mem>>) src(%arg8 : memref<16x1024xf32, #tpu.memory_space<vmem>>) dst(%dma_wait3A_100 : memref<16x1024xf32, #tpu.memory_space<hbm>>)
    %dma_start3A_101 = arith.constant 128 : i32
    %dma_start3A_102 = tpu.memref_slice %arg5[%dma_start3A_101] : memref<1024xi32, #tpu.memory_space<vmem>> -> memref<16xi32, #tpu.memory_space<vmem>>
    %dma_start3A_103 = arith.constant 0 : i32
    %dma_start3A_104 = arith.constant 0 : i32
    %dma_start3A_105 = tpu.memref_slice %arg3[%dma_start3A_103, %dma_start3A_104] : memref<8192x1024xf32, #tpu.memory_space<hbm>> -> memref<8192x1024xf32, #tpu.memory_space<hbm>>
    tpu.enqueue_indirect_dma source(%dma_start3A_105 : memref<8192x1024xf32, #tpu.memory_space<hbm>>) target(%arg8 : memref<16x1024xf32, #tpu.memory_space<vmem>>) offsets(%dma_start3A_102 : memref<16xi32, #tpu.memory_space<vmem>>) semaphore(%arg14 : memref<!tpu.dma_semaphore, #tpu.memory_space<semaphore_mem>>)
    %dma_wait3A_106 = arith.constant 0 : i32
    %dma_wait3A_107 = arith.constant 0 : i32
    %dma_wait3A_108 = tpu.memref_slice %arg3[%dma_wait3A_106, %dma_wait3A_107] : memref<8192x1024xf32, #tpu.memory_space<hbm>> -> memref<16x1024xf32, #tpu.memory_space<hbm>>
    %dma_wait3A_109 = arith.constant 0 : i32
    %dma_wait3A_110 = arith.constant 0 : i32
    %dma_wait3A_111 = tpu.memref_slice %arg3[%dma_wait3A_109, %dma_wait3A_110] : memref<8192x1024xf32, #tpu.memory_space<hbm>> -> memref<16x1024xf32, #tpu.memory_space<hbm>>
    tpu.wait_dma2 semaphore(%arg16 : memref<!tpu.dma_semaphore, #tpu.memory_space<semaphore_mem>>) src(%dma_wait3A_111 : memref<16x1024xf32, #tpu.memory_space<hbm>>) dst(%arg10 : memref<16x1024xf32, #tpu.memory_space<vmem>>)
    %add3A_112 = arith.constant 64 : i32
    %add3A_113 = arith.addi %mul3A_2, %add3A_112 : i32
    %dma_start3A_114 = arith.constant 0 : i32
    %dma_start3A_115 = tpu.memref_slice %arg4[%add3A_113, %dma_start3A_114] : memref<32768x1024xf32, #tpu.memory_space<hbm>> -> memref<16x1024xf32, #tpu.memory_space<hbm>>
    %dma_start3A_116 = arith.constant 0 : i32
    %dma_start3A_117 = tpu.memref_slice %arg4[%add3A_113, %dma_start3A_116] : memref<32768x1024xf32, #tpu.memory_space<hbm>> -> memref<16x1024xf32, #tpu.memory_space<hbm>>
    tpu.enqueue_dma source(%arg10 : memref<16x1024xf32, #tpu.memory_space<vmem>>) target(%dma_start3A_117 : memref<16x1024xf32, #tpu.memory_space<hbm>>) target_semaphore(%arg22 : memref<!tpu.dma_semaphore, #tpu.memory_space<semaphore_mem>>)
    %dma_wait3A_118 = arith.constant 0 : i32
    %dma_wait3A_119 = tpu.memref_slice %arg4[%mul3A_2, %dma_wait3A_118] : memref<32768x1024xf32, #tpu.memory_space<hbm>> -> memref<16x1024xf32, #tpu.memory_space<hbm>>
    %dma_wait3A_120 = arith.constant 0 : i32
    %dma_wait3A_121 = tpu.memref_slice %arg4[%mul3A_2, %dma_wait3A_120] : memref<32768x1024xf32, #tpu.memory_space<hbm>> -> memref<16x1024xf32, #tpu.memory_space<hbm>>
    tpu.wait_dma2 semaphore(%arg21 : memref<!tpu.dma_semaphore, #tpu.memory_space<semaphore_mem>>) src(%arg9 : memref<16x1024xf32, #tpu.memory_space<vmem>>) dst(%dma_wait3A_121 : memref<16x1024xf32, #tpu.memory_space<hbm>>)
    %dma_start3A_122 = arith.constant 144 : i32
    %dma_start3A_123 = tpu.memref_slice %arg5[%dma_start3A_122] : memref<1024xi32, #tpu.memory_space<vmem>> -> memref<16xi32, #tpu.memory_space<vmem>>
    %dma_start3A_124 = arith.constant 0 : i32
    %dma_start3A_125 = arith.constant 0 : i32
    %dma_start3A_126 = tpu.memref_slice %arg3[%dma_start3A_124, %dma_start3A_125] : memref<8192x1024xf32, #tpu.memory_space<hbm>> -> memref<8192x1024xf32, #tpu.memory_space<hbm>>
    tpu.enqueue_indirect_dma source(%dma_start3A_126 : memref<8192x1024xf32, #tpu.memory_space<hbm>>) target(%arg9 : memref<16x1024xf32, #tpu.memory_space<vmem>>) offsets(%dma_start3A_123 : memref<16xi32, #tpu.memory_space<vmem>>) semaphore(%arg15 : memref<!tpu.dma_semaphore, #tpu.memory_space<semaphore_mem>>)
    %dma_wait3A_127 = arith.constant 0 : i32
    %dma_wait3A_128 = arith.constant 0 : i32
    %dma_wait3A_129 = tpu.memref_slice %arg3[%dma_wait3A_127, %dma_wait3A_128] : memref<8192x1024xf32, #tpu.memory_space<hbm>> -> memref<16x1024xf32, #tpu.memory_space<hbm>>
    %dma_wait3A_130 = arith.constant 0 : i32
    %dma_wait3A_131 = arith.constant 0 : i32
    %dma_wait3A_132 = tpu.memref_slice %arg3[%dma_wait3A_130, %dma_wait3A_131] : memref<8192x1024xf32, #tpu.memory_space<hbm>> -> memref<16x1024xf32, #tpu.memory_space<hbm>>
    tpu.wait_dma2 semaphore(%arg17 : memref<!tpu.dma_semaphore, #tpu.memory_space<semaphore_mem>>) src(%dma_wait3A_132 : memref<16x1024xf32, #tpu.memory_space<hbm>>) dst(%arg11 : memref<16x1024xf32, #tpu.memory_space<vmem>>)
    %add3A_133 = arith.constant 80 : i32
    %add3A_134 = arith.addi %mul3A_2, %add3A_133 : i32
    %dma_start3A_135 = arith.constant 0 : i32
    %dma_start3A_136 = tpu.memref_slice %arg4[%add3A_134, %dma_start3A_135] : memref<32768x1024xf32, #tpu.memory_space<hbm>> -> memref<16x1024xf32, #tpu.memory_space<hbm>>
    %dma_start3A_137 = arith.constant 0 : i32
    %dma_start3A_138 = tpu.memref_slice %arg4[%add3A_134, %dma_start3A_137] : memref<32768x1024xf32, #tpu.memory_space<hbm>> -> memref<16x1024xf32, #tpu.memory_space<hbm>>
    tpu.enqueue_dma source(%arg11 : memref<16x1024xf32, #tpu.memory_space<vmem>>) target(%dma_start3A_138 : memref<16x1024xf32, #tpu.memory_space<hbm>>) target_semaphore(%arg23 : memref<!tpu.dma_semaphore, #tpu.memory_space<semaphore_mem>>)
    %dma_wait3A_139 = arith.constant 0 : i32
    %dma_wait3A_140 = tpu.memref_slice %arg4[%mul3A_2, %dma_wait3A_139] : memref<32768x1024xf32, #tpu.memory_space<hbm>> -> memref<16x1024xf32, #tpu.memory_space<hbm>>
    %dma_wait3A_141 = arith.constant 0 : i32
    %dma_wait3A_142 = tpu.memref_slice %arg4[%mul3A_2, %dma_wait3A_141] : memref<32768x1024xf32, #tpu.memory_space<hbm>> -> memref<16x1024xf32, #tpu.memory_space<hbm>>
    tpu.wait_dma2 semaphore(%arg22 : memref<!tpu.dma_semaphore, #tpu.memory_space<semaphore_mem>>) src(%arg10 : memref<16x1024xf32, #tpu.memory_space<vmem>>) dst(%dma_wait3A_142 : memref<16x1024xf32, #tpu.memory_space<hbm>>)
    %dma_start3A_143 = arith.constant 160 : i32
    %dma_start3A_144 = tpu.memref_slice %arg5[%dma_start3A_143] : memref<1024xi32, #tpu.memory_space<vmem>> -> memref<16xi32, #tpu.memory_space<vmem>>
    %dma_start3A_145 = arith.constant 0 : i32
    %dma_start3A_146 = arith.constant 0 : i32
    %dma_start3A_147 = tpu.memref_slice %arg3[%dma_start3A_145, %dma_start3A_146] : memref<8192x1024xf32, #tpu.memory_space<hbm>> -> memref<8192x1024xf32, #tpu.memory_space<hbm>>
    tpu.enqueue_indirect_dma source(%dma_start3A_147 : memref<8192x1024xf32, #tpu.memory_space<hbm>>) target(%arg10 : memref<16x1024xf32, #tpu.memory_space<vmem>>) offsets(%dma_start3A_144 : memref<16xi32, #tpu.memory_space<vmem>>) semaphore(%arg16 : memref<!tpu.dma_semaphore, #tpu.memory_space<semaphore_mem>>)
    %scan3A = arith.constant 0 : i32
    %scan3A_148 = arith.constant 8 : i32
    %scan3A_149 = arith.addi %scan3A, %scan3A_148 : i32
    %scan3A_150 = arith.constant 1 : i32
    scf.for %scan3A_341 = %scan3A to %scan3A_149 step %scan3A_150  : i32 {
      %mul3A_342 = arith.constant 6 : i32
      %mul3A_343 = arith.muli %scan3A_341, %mul3A_342 : i32
      %add3A_344 = arith.constant 6 : i32
      %add3A_345 = arith.addi %add3A_344, %mul3A_343 : i32
      %add3A_346 = arith.constant 0 : i32
      %add3A_347 = arith.addi %add3A_345, %add3A_346 : i32
      %dma_wait3A_348 = arith.constant 0 : i32
      %dma_wait3A_349 = arith.constant 0 : i32
      %dma_wait3A_350 = tpu.memref_slice %arg3[%dma_wait3A_348, %dma_wait3A_349] : memref<8192x1024xf32, #tpu.memory_space<hbm>> -> memref<16x1024xf32, #tpu.memory_space<hbm>>
      %dma_wait3A_351 = arith.constant 0 : i32
      %dma_wait3A_352 = arith.constant 0 : i32
      %dma_wait3A_353 = tpu.memref_slice %arg3[%dma_wait3A_351, %dma_wait3A_352] : memref<8192x1024xf32, #tpu.memory_space<hbm>> -> memref<16x1024xf32, #tpu.memory_space<hbm>>
      tpu.wait_dma2 semaphore(%arg12 : memref<!tpu.dma_semaphore, #tpu.memory_space<semaphore_mem>>) src(%dma_wait3A_353 : memref<16x1024xf32, #tpu.memory_space<hbm>>) dst(%arg6 : memref<16x1024xf32, #tpu.memory_space<vmem>>)
      %mul3A_354 = arith.constant 16 : i32
      %mul3A_355 = arith.muli %add3A_347, %mul3A_354 : i32
      %add3A_356 = arith.addi %mul3A_2, %mul3A_355 : i32
      %dma_start3A_357 = arith.constant 0 : i32
      %dma_start3A_358 = tpu.memref_slice %arg4[%add3A_356, %dma_start3A_357] : memref<32768x1024xf32, #tpu.memory_space<hbm>> -> memref<16x1024xf32, #tpu.memory_space<hbm>>
      %dma_start3A_359 = arith.constant 0 : i32
      %dma_start3A_360 = tpu.memref_slice %arg4[%add3A_356, %dma_start3A_359] : memref<32768x1024xf32, #tpu.memory_space<hbm>> -> memref<16x1024xf32, #tpu.memory_space<hbm>>
      tpu.enqueue_dma source(%arg6 : memref<16x1024xf32, #tpu.memory_space<vmem>>) target(%dma_start3A_360 : memref<16x1024xf32, #tpu.memory_space<hbm>>) target_semaphore(%arg18 : memref<!tpu.dma_semaphore, #tpu.memory_space<semaphore_mem>>)
      %dma_wait3A_361 = arith.constant 0 : i32
      %dma_wait3A_362 = tpu.memref_slice %arg4[%mul3A_2, %dma_wait3A_361] : memref<32768x1024xf32, #tpu.memory_space<hbm>> -> memref<16x1024xf32, #tpu.memory_space<hbm>>
      %dma_wait3A_363 = arith.constant 0 : i32
      %dma_wait3A_364 = tpu.memref_slice %arg4[%mul3A_2, %dma_wait3A_363] : memref<32768x1024xf32, #tpu.memory_space<hbm>> -> memref<16x1024xf32, #tpu.memory_space<hbm>>
      tpu.wait_dma2 semaphore(%arg23 : memref<!tpu.dma_semaphore, #tpu.memory_space<semaphore_mem>>) src(%arg11 : memref<16x1024xf32, #tpu.memory_space<vmem>>) dst(%dma_wait3A_364 : memref<16x1024xf32, #tpu.memory_space<hbm>>)
      %add3A_365 = arith.constant 6 : i32
      %add3A_366 = arith.addi %add3A_347, %add3A_365 : i32
      %sub3A = arith.constant 1 : i32
      %sub3A_367 = arith.subi %add3A_366, %sub3A : i32
      %mul3A_368 = arith.constant 16 : i32
      %mul3A_369 = arith.muli %sub3A_367, %mul3A_368 : i32
      %dma_start3A_370 = tpu.memref_slice %arg5[%mul3A_369] : memref<1024xi32, #tpu.memory_space<vmem>> -> memref<16xi32, #tpu.memory_space<vmem>>
      %dma_start3A_371 = arith.constant 0 : i32
      %dma_start3A_372 = arith.constant 0 : i32
      %dma_start3A_373 = tpu.memref_slice %arg3[%dma_start3A_371, %dma_start3A_372] : memref<8192x1024xf32, #tpu.memory_space<hbm>> -> memref<8192x1024xf32, #tpu.memory_space<hbm>>
      tpu.enqueue_indirect_dma source(%dma_start3A_373 : memref<8192x1024xf32, #tpu.memory_space<hbm>>) target(%arg11 : memref<16x1024xf32, #tpu.memory_space<vmem>>) offsets(%dma_start3A_370 : memref<16xi32, #tpu.memory_space<vmem>>) semaphore(%arg17 : memref<!tpu.dma_semaphore, #tpu.memory_space<semaphore_mem>>)
      %add3A_374 = arith.constant 1 : i32
      %add3A_375 = arith.addi %add3A_345, %add3A_374 : i32
      %dma_wait3A_376 = arith.constant 0 : i32
      %dma_wait3A_377 = arith.constant 0 : i32
      %dma_wait3A_378 = tpu.memref_slice %arg3[%dma_wait3A_376, %dma_wait3A_377] : memref<8192x1024xf32, #tpu.memory_space<hbm>> -> memref<16x1024xf32, #tpu.memory_space<hbm>>
      %dma_wait3A_379 = arith.constant 0 : i32
      %dma_wait3A_380 = arith.constant 0 : i32
      %dma_wait3A_381 = tpu.memref_slice %arg3[%dma_wait3A_379, %dma_wait3A_380] : memref<8192x1024xf32, #tpu.memory_space<hbm>> -> memref<16x1024xf32, #tpu.memory_space<hbm>>
      tpu.wait_dma2 semaphore(%arg13 : memref<!tpu.dma_semaphore, #tpu.memory_space<semaphore_mem>>) src(%dma_wait3A_381 : memref<16x1024xf32, #tpu.memory_space<hbm>>) dst(%arg7 : memref<16x1024xf32, #tpu.memory_space<vmem>>)
      %mul3A_382 = arith.constant 16 : i32
      %mul3A_383 = arith.muli %add3A_375, %mul3A_382 : i32
      %add3A_384 = arith.addi %mul3A_2, %mul3A_383 : i32
      %dma_start3A_385 = arith.constant 0 : i32
      %dma_start3A_386 = tpu.memref_slice %arg4[%add3A_384, %dma_start3A_385] : memref<32768x1024xf32, #tpu.memory_space<hbm>> -> memref<16x1024xf32, #tpu.memory_space<hbm>>
      %dma_start3A_387 = arith.constant 0 : i32
      %dma_start3A_388 = tpu.memref_slice %arg4[%add3A_384, %dma_start3A_387] : memref<32768x1024xf32, #tpu.memory_space<hbm>> -> memref<16x1024xf32, #tpu.memory_space<hbm>>
      tpu.enqueue_dma source(%arg7 : memref<16x1024xf32, #tpu.memory_space<vmem>>) target(%dma_start3A_388 : memref<16x1024xf32, #tpu.memory_space<hbm>>) target_semaphore(%arg19 : memref<!tpu.dma_semaphore, #tpu.memory_space<semaphore_mem>>)
      %dma_wait3A_389 = arith.constant 0 : i32
      %dma_wait3A_390 = tpu.memref_slice %arg4[%mul3A_2, %dma_wait3A_389] : memref<32768x1024xf32, #tpu.memory_space<hbm>> -> memref<16x1024xf32, #tpu.memory_space<hbm>>
      %dma_wait3A_391 = arith.constant 0 : i32
      %dma_wait3A_392 = tpu.memref_slice %arg4[%mul3A_2, %dma_wait3A_391] : memref<32768x1024xf32, #tpu.memory_space<hbm>> -> memref<16x1024xf32, #tpu.memory_space<hbm>>
      tpu.wait_dma2 semaphore(%arg18 : memref<!tpu.dma_semaphore, #tpu.memory_space<semaphore_mem>>) src(%arg6 : memref<16x1024xf32, #tpu.memory_space<vmem>>) dst(%dma_wait3A_392 : memref<16x1024xf32, #tpu.memory_space<hbm>>)
      %add3A_393 = arith.constant 6 : i32
      %add3A_394 = arith.addi %add3A_375, %add3A_393 : i32
      %sub3A_395 = arith.constant 1 : i32
      %sub3A_396 = arith.subi %add3A_394, %sub3A_395 : i32
      %mul3A_397 = arith.constant 16 : i32
      %mul3A_398 = arith.muli %sub3A_396, %mul3A_397 : i32
      %dma_start3A_399 = tpu.memref_slice %arg5[%mul3A_398] : memref<1024xi32, #tpu.memory_space<vmem>> -> memref<16xi32, #tpu.memory_space<vmem>>
      %dma_start3A_400 = arith.constant 0 : i32
      %dma_start3A_401 = arith.constant 0 : i32
      %dma_start3A_402 = tpu.memref_slice %arg3[%dma_start3A_400, %dma_start3A_401] : memref<8192x1024xf32, #tpu.memory_space<hbm>> -> memref<8192x1024xf32, #tpu.memory_space<hbm>>
      tpu.enqueue_indirect_dma source(%dma_start3A_402 : memref<8192x1024xf32, #tpu.memory_space<hbm>>) target(%arg6 : memref<16x1024xf32, #tpu.memory_space<vmem>>) offsets(%dma_start3A_399 : memref<16xi32, #tpu.memory_space<vmem>>) semaphore(%arg12 : memref<!tpu.dma_semaphore, #tpu.memory_space<semaphore_mem>>)
      %add3A_403 = arith.constant 2 : i32
      %add3A_404 = arith.addi %add3A_345, %add3A_403 : i32
      %dma_wait3A_405 = arith.constant 0 : i32
      %dma_wait3A_406 = arith.constant 0 : i32
      %dma_wait3A_407 = tpu.memref_slice %arg3[%dma_wait3A_405, %dma_wait3A_406] : memref<8192x1024xf32, #tpu.memory_space<hbm>> -> memref<16x1024xf32, #tpu.memory_space<hbm>>
      %dma_wait3A_408 = arith.constant 0 : i32
      %dma_wait3A_409 = arith.constant 0 : i32
      %dma_wait3A_410 = tpu.memref_slice %arg3[%dma_wait3A_408, %dma_wait3A_409] : memref<8192x1024xf32, #tpu.memory_space<hbm>> -> memref<16x1024xf32, #tpu.memory_space<hbm>>
      tpu.wait_dma2 semaphore(%arg14 : memref<!tpu.dma_semaphore, #tpu.memory_space<semaphore_mem>>) src(%dma_wait3A_410 : memref<16x1024xf32, #tpu.memory_space<hbm>>) dst(%arg8 : memref<16x1024xf32, #tpu.memory_space<vmem>>)
      %mul3A_411 = arith.constant 16 : i32
      %mul3A_412 = arith.muli %add3A_404, %mul3A_411 : i32
      %add3A_413 = arith.addi %mul3A_2, %mul3A_412 : i32
      %dma_start3A_414 = arith.constant 0 : i32
      %dma_start3A_415 = tpu.memref_slice %arg4[%add3A_413, %dma_start3A_414] : memref<32768x1024xf32, #tpu.memory_space<hbm>> -> memref<16x1024xf32, #tpu.memory_space<hbm>>
      %dma_start3A_416 = arith.constant 0 : i32
      %dma_start3A_417 = tpu.memref_slice %arg4[%add3A_413, %dma_start3A_416] : memref<32768x1024xf32, #tpu.memory_space<hbm>> -> memref<16x1024xf32, #tpu.memory_space<hbm>>
      tpu.enqueue_dma source(%arg8 : memref<16x1024xf32, #tpu.memory_space<vmem>>) target(%dma_start3A_417 : memref<16x1024xf32, #tpu.memory_space<hbm>>) target_semaphore(%arg20 : memref<!tpu.dma_semaphore, #tpu.memory_space<semaphore_mem>>)
      %dma_wait3A_418 = arith.constant 0 : i32
      %dma_wait3A_419 = tpu.memref_slice %arg4[%mul3A_2, %dma_wait3A_418] : memref<32768x1024xf32, #tpu.memory_space<hbm>> -> memref<16x1024xf32, #tpu.memory_space<hbm>>
      %dma_wait3A_420 = arith.constant 0 : i32
      %dma_wait3A_421 = tpu.memref_slice %arg4[%mul3A_2, %dma_wait3A_420] : memref<32768x1024xf32, #tpu.memory_space<hbm>> -> memref<16x1024xf32, #tpu.memory_space<hbm>>
      tpu.wait_dma2 semaphore(%arg19 : memref<!tpu.dma_semaphore, #tpu.memory_space<semaphore_mem>>) src(%arg7 : memref<16x1024xf32, #tpu.memory_space<vmem>>) dst(%dma_wait3A_421 : memref<16x1024xf32, #tpu.memory_space<hbm>>)
      %add3A_422 = arith.constant 6 : i32
      %add3A_423 = arith.addi %add3A_404, %add3A_422 : i32
      %sub3A_424 = arith.constant 1 : i32
      %sub3A_425 = arith.subi %add3A_423, %sub3A_424 : i32
      %mul3A_426 = arith.constant 16 : i32
      %mul3A_427 = arith.muli %sub3A_425, %mul3A_426 : i32
      %dma_start3A_428 = tpu.memref_slice %arg5[%mul3A_427] : memref<1024xi32, #tpu.memory_space<vmem>> -> memref<16xi32, #tpu.memory_space<vmem>>
      %dma_start3A_429 = arith.constant 0 : i32
      %dma_start3A_430 = arith.constant 0 : i32
      %dma_start3A_431 = tpu.memref_slice %arg3[%dma_start3A_429, %dma_start3A_430] : memref<8192x1024xf32, #tpu.memory_space<hbm>> -> memref<8192x1024xf32, #tpu.memory_space<hbm>>
      tpu.enqueue_indirect_dma source(%dma_start3A_431 : memref<8192x1024xf32, #tpu.memory_space<hbm>>) target(%arg7 : memref<16x1024xf32, #tpu.memory_space<vmem>>) offsets(%dma_start3A_428 : memref<16xi32, #tpu.memory_space<vmem>>) semaphore(%arg13 : memref<!tpu.dma_semaphore, #tpu.memory_space<semaphore_mem>>)
      %add3A_432 = arith.constant 3 : i32
      %add3A_433 = arith.addi %add3A_345, %add3A_432 : i32
      %dma_wait3A_434 = arith.constant 0 : i32
      %dma_wait3A_435 = arith.constant 0 : i32
      %dma_wait3A_436 = tpu.memref_slice %arg3[%dma_wait3A_434, %dma_wait3A_435] : memref<8192x1024xf32, #tpu.memory_space<hbm>> -> memref<16x1024xf32, #tpu.memory_space<hbm>>
      %dma_wait3A_437 = arith.constant 0 : i32
      %dma_wait3A_438 = arith.constant 0 : i32
      %dma_wait3A_439 = tpu.memref_slice %arg3[%dma_wait3A_437, %dma_wait3A_438] : memref<8192x1024xf32, #tpu.memory_space<hbm>> -> memref<16x1024xf32, #tpu.memory_space<hbm>>
      tpu.wait_dma2 semaphore(%arg15 : memref<!tpu.dma_semaphore, #tpu.memory_space<semaphore_mem>>) src(%dma_wait3A_439 : memref<16x1024xf32, #tpu.memory_space<hbm>>) dst(%arg9 : memref<16x1024xf32, #tpu.memory_space<vmem>>)
      %mul3A_440 = arith.constant 16 : i32
      %mul3A_441 = arith.muli %add3A_433, %mul3A_440 : i32
      %add3A_442 = arith.addi %mul3A_2, %mul3A_441 : i32
      %dma_start3A_443 = arith.constant 0 : i32
      %dma_start3A_444 = tpu.memref_slice %arg4[%add3A_442, %dma_start3A_443] : memref<32768x1024xf32, #tpu.memory_space<hbm>> -> memref<16x1024xf32, #tpu.memory_space<hbm>>
      %dma_start3A_445 = arith.constant 0 : i32
      %dma_start3A_446 = tpu.memref_slice %arg4[%add3A_442, %dma_start3A_445] : memref<32768x1024xf32, #tpu.memory_space<hbm>> -> memref<16x1024xf32, #tpu.memory_space<hbm>>
      tpu.enqueue_dma source(%arg9 : memref<16x1024xf32, #tpu.memory_space<vmem>>) target(%dma_start3A_446 : memref<16x1024xf32, #tpu.memory_space<hbm>>) target_semaphore(%arg21 : memref<!tpu.dma_semaphore, #tpu.memory_space<semaphore_mem>>)
      %dma_wait3A_447 = arith.constant 0 : i32
      %dma_wait3A_448 = tpu.memref_slice %arg4[%mul3A_2, %dma_wait3A_447] : memref<32768x1024xf32, #tpu.memory_space<hbm>> -> memref<16x1024xf32, #tpu.memory_space<hbm>>
      %dma_wait3A_449 = arith.constant 0 : i32
      %dma_wait3A_450 = tpu.memref_slice %arg4[%mul3A_2, %dma_wait3A_449] : memref<32768x1024xf32, #tpu.memory_space<hbm>> -> memref<16x1024xf32, #tpu.memory_space<hbm>>
      tpu.wait_dma2 semaphore(%arg20 : memref<!tpu.dma_semaphore, #tpu.memory_space<semaphore_mem>>) src(%arg8 : memref<16x1024xf32, #tpu.memory_space<vmem>>) dst(%dma_wait3A_450 : memref<16x1024xf32, #tpu.memory_space<hbm>>)
      %add3A_451 = arith.constant 6 : i32
      %add3A_452 = arith.addi %add3A_433, %add3A_451 : i32
      %sub3A_453 = arith.constant 1 : i32
      %sub3A_454 = arith.subi %add3A_452, %sub3A_453 : i32
      %mul3A_455 = arith.constant 16 : i32
      %mul3A_456 = arith.muli %sub3A_454, %mul3A_455 : i32
      %dma_start3A_457 = tpu.memref_slice %arg5[%mul3A_456] : memref<1024xi32, #tpu.memory_space<vmem>> -> memref<16xi32, #tpu.memory_space<vmem>>
      %dma_start3A_458 = arith.constant 0 : i32
      %dma_start3A_459 = arith.constant 0 : i32
      %dma_start3A_460 = tpu.memref_slice %arg3[%dma_start3A_458, %dma_start3A_459] : memref<8192x1024xf32, #tpu.memory_space<hbm>> -> memref<8192x1024xf32, #tpu.memory_space<hbm>>
      tpu.enqueue_indirect_dma source(%dma_start3A_460 : memref<8192x1024xf32, #tpu.memory_space<hbm>>) target(%arg8 : memref<16x1024xf32, #tpu.memory_space<vmem>>) offsets(%dma_start3A_457 : memref<16xi32, #tpu.memory_space<vmem>>) semaphore(%arg14 : memref<!tpu.dma_semaphore, #tpu.memory_space<semaphore_mem>>)
      %add3A_461 = arith.constant 4 : i32
      %add3A_462 = arith.addi %add3A_345, %add3A_461 : i32
      %dma_wait3A_463 = arith.constant 0 : i32
      %dma_wait3A_464 = arith.constant 0 : i32
      %dma_wait3A_465 = tpu.memref_slice %arg3[%dma_wait3A_463, %dma_wait3A_464] : memref<8192x1024xf32, #tpu.memory_space<hbm>> -> memref<16x1024xf32, #tpu.memory_space<hbm>>
      %dma_wait3A_466 = arith.constant 0 : i32
      %dma_wait3A_467 = arith.constant 0 : i32
      %dma_wait3A_468 = tpu.memref_slice %arg3[%dma_wait3A_466, %dma_wait3A_467] : memref<8192x1024xf32, #tpu.memory_space<hbm>> -> memref<16x1024xf32, #tpu.memory_space<hbm>>
      tpu.wait_dma2 semaphore(%arg16 : memref<!tpu.dma_semaphore, #tpu.memory_space<semaphore_mem>>) src(%dma_wait3A_468 : memref<16x1024xf32, #tpu.memory_space<hbm>>) dst(%arg10 : memref<16x1024xf32, #tpu.memory_space<vmem>>)
      %mul3A_469 = arith.constant 16 : i32
      %mul3A_470 = arith.muli %add3A_462, %mul3A_469 : i32
      %add3A_471 = arith.addi %mul3A_2, %mul3A_470 : i32
      %dma_start3A_472 = arith.constant 0 : i32
      %dma_start3A_473 = tpu.memref_slice %arg4[%add3A_471, %dma_start3A_472] : memref<32768x1024xf32, #tpu.memory_space<hbm>> -> memref<16x1024xf32, #tpu.memory_space<hbm>>
      %dma_start3A_474 = arith.constant 0 : i32
      %dma_start3A_475 = tpu.memref_slice %arg4[%add3A_471, %dma_start3A_474] : memref<32768x1024xf32, #tpu.memory_space<hbm>> -> memref<16x1024xf32, #tpu.memory_space<hbm>>
      tpu.enqueue_dma source(%arg10 : memref<16x1024xf32, #tpu.memory_space<vmem>>) target(%dma_start3A_475 : memref<16x1024xf32, #tpu.memory_space<hbm>>) target_semaphore(%arg22 : memref<!tpu.dma_semaphore, #tpu.memory_space<semaphore_mem>>)
      %dma_wait3A_476 = arith.constant 0 : i32
      %dma_wait3A_477 = tpu.memref_slice %arg4[%mul3A_2, %dma_wait3A_476] : memref<32768x1024xf32, #tpu.memory_space<hbm>> -> memref<16x1024xf32, #tpu.memory_space<hbm>>
      %dma_wait3A_478 = arith.constant 0 : i32
      %dma_wait3A_479 = tpu.memref_slice %arg4[%mul3A_2, %dma_wait3A_478] : memref<32768x1024xf32, #tpu.memory_space<hbm>> -> memref<16x1024xf32, #tpu.memory_space<hbm>>
      tpu.wait_dma2 semaphore(%arg21 : memref<!tpu.dma_semaphore, #tpu.memory_space<semaphore_mem>>) src(%arg9 : memref<16x1024xf32, #tpu.memory_space<vmem>>) dst(%dma_wait3A_479 : memref<16x1024xf32, #tpu.memory_space<hbm>>)
      %add3A_480 = arith.constant 6 : i32
      %add3A_481 = arith.addi %add3A_462, %add3A_480 : i32
      %sub3A_482 = arith.constant 1 : i32
      %sub3A_483 = arith.subi %add3A_481, %sub3A_482 : i32
      %mul3A_484 = arith.constant 16 : i32
      %mul3A_485 = arith.muli %sub3A_483, %mul3A_484 : i32
      %dma_start3A_486 = tpu.memref_slice %arg5[%mul3A_485] : memref<1024xi32, #tpu.memory_space<vmem>> -> memref<16xi32, #tpu.memory_space<vmem>>
      %dma_start3A_487 = arith.constant 0 : i32
      %dma_start3A_488 = arith.constant 0 : i32
      %dma_start3A_489 = tpu.memref_slice %arg3[%dma_start3A_487, %dma_start3A_488] : memref<8192x1024xf32, #tpu.memory_space<hbm>> -> memref<8192x1024xf32, #tpu.memory_space<hbm>>
      tpu.enqueue_indirect_dma source(%dma_start3A_489 : memref<8192x1024xf32, #tpu.memory_space<hbm>>) target(%arg9 : memref<16x1024xf32, #tpu.memory_space<vmem>>) offsets(%dma_start3A_486 : memref<16xi32, #tpu.memory_space<vmem>>) semaphore(%arg15 : memref<!tpu.dma_semaphore, #tpu.memory_space<semaphore_mem>>)
      %add3A_490 = arith.constant 5 : i32
      %add3A_491 = arith.addi %add3A_345, %add3A_490 : i32
      %dma_wait3A_492 = arith.constant 0 : i32
      %dma_wait3A_493 = arith.constant 0 : i32
      %dma_wait3A_494 = tpu.memref_slice %arg3[%dma_wait3A_492, %dma_wait3A_493] : memref<8192x1024xf32, #tpu.memory_space<hbm>> -> memref<16x1024xf32, #tpu.memory_space<hbm>>
      %dma_wait3A_495 = arith.constant 0 : i32
      %dma_wait3A_496 = arith.constant 0 : i32
      %dma_wait3A_497 = tpu.memref_slice %arg3[%dma_wait3A_495, %dma_wait3A_496] : memref<8192x1024xf32, #tpu.memory_space<hbm>> -> memref<16x1024xf32, #tpu.memory_space<hbm>>
      tpu.wait_dma2 semaphore(%arg17 : memref<!tpu.dma_semaphore, #tpu.memory_space<semaphore_mem>>) src(%dma_wait3A_497 : memref<16x1024xf32, #tpu.memory_space<hbm>>) dst(%arg11 : memref<16x1024xf32, #tpu.memory_space<vmem>>)
      %mul3A_498 = arith.constant 16 : i32
      %mul3A_499 = arith.muli %add3A_491, %mul3A_498 : i32
      %add3A_500 = arith.addi %mul3A_2, %mul3A_499 : i32
      %dma_start3A_501 = arith.constant 0 : i32
      %dma_start3A_502 = tpu.memref_slice %arg4[%add3A_500, %dma_start3A_501] : memref<32768x1024xf32, #tpu.memory_space<hbm>> -> memref<16x1024xf32, #tpu.memory_space<hbm>>
      %dma_start3A_503 = arith.constant 0 : i32
      %dma_start3A_504 = tpu.memref_slice %arg4[%add3A_500, %dma_start3A_503] : memref<32768x1024xf32, #tpu.memory_space<hbm>> -> memref<16x1024xf32, #tpu.memory_space<hbm>>
      tpu.enqueue_dma source(%arg11 : memref<16x1024xf32, #tpu.memory_space<vmem>>) target(%dma_start3A_504 : memref<16x1024xf32, #tpu.memory_space<hbm>>) target_semaphore(%arg23 : memref<!tpu.dma_semaphore, #tpu.memory_space<semaphore_mem>>)
      %dma_wait3A_505 = arith.constant 0 : i32
      %dma_wait3A_506 = tpu.memref_slice %arg4[%mul3A_2, %dma_wait3A_505] : memref<32768x1024xf32, #tpu.memory_space<hbm>> -> memref<16x1024xf32, #tpu.memory_space<hbm>>
      %dma_wait3A_507 = arith.constant 0 : i32
      %dma_wait3A_508 = tpu.memref_slice %arg4[%mul3A_2, %dma_wait3A_507] : memref<32768x1024xf32, #tpu.memory_space<hbm>> -> memref<16x1024xf32, #tpu.memory_space<hbm>>
      tpu.wait_dma2 semaphore(%arg22 : memref<!tpu.dma_semaphore, #tpu.memory_space<semaphore_mem>>) src(%arg10 : memref<16x1024xf32, #tpu.memory_space<vmem>>) dst(%dma_wait3A_508 : memref<16x1024xf32, #tpu.memory_space<hbm>>)
      %add3A_509 = arith.constant 6 : i32
      %add3A_510 = arith.addi %add3A_491, %add3A_509 : i32
      %sub3A_511 = arith.constant 1 : i32
      %sub3A_512 = arith.subi %add3A_510, %sub3A_511 : i32
      %mul3A_513 = arith.constant 16 : i32
      %mul3A_514 = arith.muli %sub3A_512, %mul3A_513 : i32
      %dma_start3A_515 = tpu.memref_slice %arg5[%mul3A_514] : memref<1024xi32, #tpu.memory_space<vmem>> -> memref<16xi32, #tpu.memory_space<vmem>>
      %dma_start3A_516 = arith.constant 0 : i32
      %dma_start3A_517 = arith.constant 0 : i32
      %dma_start3A_518 = tpu.memref_slice %arg3[%dma_start3A_516, %dma_start3A_517] : memref<8192x1024xf32, #tpu.memory_space<hbm>> -> memref<8192x1024xf32, #tpu.memory_space<hbm>>
      tpu.enqueue_indirect_dma source(%dma_start3A_518 : memref<8192x1024xf32, #tpu.memory_space<hbm>>) target(%arg10 : memref<16x1024xf32, #tpu.memory_space<vmem>>) offsets(%dma_start3A_515 : memref<16xi32, #tpu.memory_space<vmem>>) semaphore(%arg16 : memref<!tpu.dma_semaphore, #tpu.memory_space<semaphore_mem>>)
    }
    %scan3A_151 = arith.constant 8 : i32
    %dma_wait3A_152 = arith.constant 0 : i32
    %dma_wait3A_153 = arith.constant 0 : i32
    %dma_wait3A_154 = tpu.memref_slice %arg3[%dma_wait3A_152, %dma_wait3A_153] : memref<8192x1024xf32, #tpu.memory_space<hbm>> -> memref<16x1024xf32, #tpu.memory_space<hbm>>
    %dma_wait3A_155 = arith.constant 0 : i32
    %dma_wait3A_156 = arith.constant 0 : i32
    %dma_wait3A_157 = tpu.memref_slice %arg3[%dma_wait3A_155, %dma_wait3A_156] : memref<8192x1024xf32, #tpu.memory_space<hbm>> -> memref<16x1024xf32, #tpu.memory_space<hbm>>
    tpu.wait_dma2 semaphore(%arg12 : memref<!tpu.dma_semaphore, #tpu.memory_space<semaphore_mem>>) src(%dma_wait3A_157 : memref<16x1024xf32, #tpu.memory_space<hbm>>) dst(%arg6 : memref<16x1024xf32, #tpu.memory_space<vmem>>)
    %add3A_158 = arith.constant 864 : i32
    %add3A_159 = arith.addi %mul3A_2, %add3A_158 : i32
    %dma_start3A_160 = arith.constant 0 : i32
    %dma_start3A_161 = tpu.memref_slice %arg4[%add3A_159, %dma_start3A_160] : memref<32768x1024xf32, #tpu.memory_space<hbm>> -> memref<16x1024xf32, #tpu.memory_space<hbm>>
    %dma_start3A_162 = arith.constant 0 : i32
    %dma_start3A_163 = tpu.memref_slice %arg4[%add3A_159, %dma_start3A_162] : memref<32768x1024xf32, #tpu.memory_space<hbm>> -> memref<16x1024xf32, #tpu.memory_space<hbm>>
    tpu.enqueue_dma source(%arg6 : memref<16x1024xf32, #tpu.memory_space<vmem>>) target(%dma_start3A_163 : memref<16x1024xf32, #tpu.memory_space<hbm>>) target_semaphore(%arg18 : memref<!tpu.dma_semaphore, #tpu.memory_space<semaphore_mem>>)
    %dma_wait3A_164 = arith.constant 0 : i32
    %dma_wait3A_165 = tpu.memref_slice %arg4[%mul3A_2, %dma_wait3A_164] : memref<32768x1024xf32, #tpu.memory_space<hbm>> -> memref<16x1024xf32, #tpu.memory_space<hbm>>
    %dma_wait3A_166 = arith.constant 0 : i32
    %dma_wait3A_167 = tpu.memref_slice %arg4[%mul3A_2, %dma_wait3A_166] : memref<32768x1024xf32, #tpu.memory_space<hbm>> -> memref<16x1024xf32, #tpu.memory_space<hbm>>
    tpu.wait_dma2 semaphore(%arg23 : memref<!tpu.dma_semaphore, #tpu.memory_space<semaphore_mem>>) src(%arg11 : memref<16x1024xf32, #tpu.memory_space<vmem>>) dst(%dma_wait3A_167 : memref<16x1024xf32, #tpu.memory_space<hbm>>)
    %dma_start3A_168 = arith.constant 944 : i32
    %dma_start3A_169 = tpu.memref_slice %arg5[%dma_start3A_168] : memref<1024xi32, #tpu.memory_space<vmem>> -> memref<16xi32, #tpu.memory_space<vmem>>
    %dma_start3A_170 = arith.constant 0 : i32
    %dma_start3A_171 = arith.constant 0 : i32
    %dma_start3A_172 = tpu.memref_slice %arg3[%dma_start3A_170, %dma_start3A_171] : memref<8192x1024xf32, #tpu.memory_space<hbm>> -> memref<8192x1024xf32, #tpu.memory_space<hbm>>
    tpu.enqueue_indirect_dma source(%dma_start3A_172 : memref<8192x1024xf32, #tpu.memory_space<hbm>>) target(%arg11 : memref<16x1024xf32, #tpu.memory_space<vmem>>) offsets(%dma_start3A_169 : memref<16xi32, #tpu.memory_space<vmem>>) semaphore(%arg17 : memref<!tpu.dma_semaphore, #tpu.memory_space<semaphore_mem>>)
    %dma_wait3A_173 = arith.constant 0 : i32
    %dma_wait3A_174 = arith.constant 0 : i32
    %dma_wait3A_175 = tpu.memref_slice %arg3[%dma_wait3A_173, %dma_wait3A_174] : memref<8192x1024xf32, #tpu.memory_space<hbm>> -> memref<16x1024xf32, #tpu.memory_space<hbm>>
    %dma_wait3A_176 = arith.constant 0 : i32
    %dma_wait3A_177 = arith.constant 0 : i32
    %dma_wait3A_178 = tpu.memref_slice %arg3[%dma_wait3A_176, %dma_wait3A_177] : memref<8192x1024xf32, #tpu.memory_space<hbm>> -> memref<16x1024xf32, #tpu.memory_space<hbm>>
    tpu.wait_dma2 semaphore(%arg13 : memref<!tpu.dma_semaphore, #tpu.memory_space<semaphore_mem>>) src(%dma_wait3A_178 : memref<16x1024xf32, #tpu.memory_space<hbm>>) dst(%arg7 : memref<16x1024xf32, #tpu.memory_space<vmem>>)
    %add3A_179 = arith.constant 880 : i32
    %add3A_180 = arith.addi %mul3A_2, %add3A_179 : i32
    %dma_start3A_181 = arith.constant 0 : i32
    %dma_start3A_182 = tpu.memref_slice %arg4[%add3A_180, %dma_start3A_181] : memref<32768x1024xf32, #tpu.memory_space<hbm>> -> memref<16x1024xf32, #tpu.memory_space<hbm>>
    %dma_start3A_183 = arith.constant 0 : i32
    %dma_start3A_184 = tpu.memref_slice %arg4[%add3A_180, %dma_start3A_183] : memref<32768x1024xf32, #tpu.memory_space<hbm>> -> memref<16x1024xf32, #tpu.memory_space<hbm>>
    tpu.enqueue_dma source(%arg7 : memref<16x1024xf32, #tpu.memory_space<vmem>>) target(%dma_start3A_184 : memref<16x1024xf32, #tpu.memory_space<hbm>>) target_semaphore(%arg19 : memref<!tpu.dma_semaphore, #tpu.memory_space<semaphore_mem>>)
    %dma_wait3A_185 = arith.constant 0 : i32
    %dma_wait3A_186 = tpu.memref_slice %arg4[%mul3A_2, %dma_wait3A_185] : memref<32768x1024xf32, #tpu.memory_space<hbm>> -> memref<16x1024xf32, #tpu.memory_space<hbm>>
    %dma_wait3A_187 = arith.constant 0 : i32
    %dma_wait3A_188 = tpu.memref_slice %arg4[%mul3A_2, %dma_wait3A_187] : memref<32768x1024xf32, #tpu.memory_space<hbm>> -> memref<16x1024xf32, #tpu.memory_space<hbm>>
    tpu.wait_dma2 semaphore(%arg18 : memref<!tpu.dma_semaphore, #tpu.memory_space<semaphore_mem>>) src(%arg6 : memref<16x1024xf32, #tpu.memory_space<vmem>>) dst(%dma_wait3A_188 : memref<16x1024xf32, #tpu.memory_space<hbm>>)
    %dma_start3A_189 = arith.constant 960 : i32
    %dma_start3A_190 = tpu.memref_slice %arg5[%dma_start3A_189] : memref<1024xi32, #tpu.memory_space<vmem>> -> memref<16xi32, #tpu.memory_space<vmem>>
    %dma_start3A_191 = arith.constant 0 : i32
    %dma_start3A_192 = arith.constant 0 : i32
    %dma_start3A_193 = tpu.memref_slice %arg3[%dma_start3A_191, %dma_start3A_192] : memref<8192x1024xf32, #tpu.memory_space<hbm>> -> memref<8192x1024xf32, #tpu.memory_space<hbm>>
    tpu.enqueue_indirect_dma source(%dma_start3A_193 : memref<8192x1024xf32, #tpu.memory_space<hbm>>) target(%arg6 : memref<16x1024xf32, #tpu.memory_space<vmem>>) offsets(%dma_start3A_190 : memref<16xi32, #tpu.memory_space<vmem>>) semaphore(%arg12 : memref<!tpu.dma_semaphore, #tpu.memory_space<semaphore_mem>>)
    %dma_wait3A_194 = arith.constant 0 : i32
    %dma_wait3A_195 = arith.constant 0 : i32
    %dma_wait3A_196 = tpu.memref_slice %arg3[%dma_wait3A_194, %dma_wait3A_195] : memref<8192x1024xf32, #tpu.memory_space<hbm>> -> memref<16x1024xf32, #tpu.memory_space<hbm>>
    %dma_wait3A_197 = arith.constant 0 : i32
    %dma_wait3A_198 = arith.constant 0 : i32
    %dma_wait3A_199 = tpu.memref_slice %arg3[%dma_wait3A_197, %dma_wait3A_198] : memref<8192x1024xf32, #tpu.memory_space<hbm>> -> memref<16x1024xf32, #tpu.memory_space<hbm>>
    tpu.wait_dma2 semaphore(%arg14 : memref<!tpu.dma_semaphore, #tpu.memory_space<semaphore_mem>>) src(%dma_wait3A_199 : memref<16x1024xf32, #tpu.memory_space<hbm>>) dst(%arg8 : memref<16x1024xf32, #tpu.memory_space<vmem>>)
    %add3A_200 = arith.constant 896 : i32
    %add3A_201 = arith.addi %mul3A_2, %add3A_200 : i32
    %dma_start3A_202 = arith.constant 0 : i32
    %dma_start3A_203 = tpu.memref_slice %arg4[%add3A_201, %dma_start3A_202] : memref<32768x1024xf32, #tpu.memory_space<hbm>> -> memref<16x1024xf32, #tpu.memory_space<hbm>>
    %dma_start3A_204 = arith.constant 0 : i32
    %dma_start3A_205 = tpu.memref_slice %arg4[%add3A_201, %dma_start3A_204] : memref<32768x1024xf32, #tpu.memory_space<hbm>> -> memref<16x1024xf32, #tpu.memory_space<hbm>>
    tpu.enqueue_dma source(%arg8 : memref<16x1024xf32, #tpu.memory_space<vmem>>) target(%dma_start3A_205 : memref<16x1024xf32, #tpu.memory_space<hbm>>) target_semaphore(%arg20 : memref<!tpu.dma_semaphore, #tpu.memory_space<semaphore_mem>>)
    %dma_wait3A_206 = arith.constant 0 : i32
    %dma_wait3A_207 = tpu.memref_slice %arg4[%mul3A_2, %dma_wait3A_206] : memref<32768x1024xf32, #tpu.memory_space<hbm>> -> memref<16x1024xf32, #tpu.memory_space<hbm>>
    %dma_wait3A_208 = arith.constant 0 : i32
    %dma_wait3A_209 = tpu.memref_slice %arg4[%mul3A_2, %dma_wait3A_208] : memref<32768x1024xf32, #tpu.memory_space<hbm>> -> memref<16x1024xf32, #tpu.memory_space<hbm>>
    tpu.wait_dma2 semaphore(%arg19 : memref<!tpu.dma_semaphore, #tpu.memory_space<semaphore_mem>>) src(%arg7 : memref<16x1024xf32, #tpu.memory_space<vmem>>) dst(%dma_wait3A_209 : memref<16x1024xf32, #tpu.memory_space<hbm>>)
    %dma_start3A_210 = arith.constant 976 : i32
    %dma_start3A_211 = tpu.memref_slice %arg5[%dma_start3A_210] : memref<1024xi32, #tpu.memory_space<vmem>> -> memref<16xi32, #tpu.memory_space<vmem>>
    %dma_start3A_212 = arith.constant 0 : i32
    %dma_start3A_213 = arith.constant 0 : i32
    %dma_start3A_214 = tpu.memref_slice %arg3[%dma_start3A_212, %dma_start3A_213] : memref<8192x1024xf32, #tpu.memory_space<hbm>> -> memref<8192x1024xf32, #tpu.memory_space<hbm>>
    tpu.enqueue_indirect_dma source(%dma_start3A_214 : memref<8192x1024xf32, #tpu.memory_space<hbm>>) target(%arg7 : memref<16x1024xf32, #tpu.memory_space<vmem>>) offsets(%dma_start3A_211 : memref<16xi32, #tpu.memory_space<vmem>>) semaphore(%arg13 : memref<!tpu.dma_semaphore, #tpu.memory_space<semaphore_mem>>)
    %dma_wait3A_215 = arith.constant 0 : i32
    %dma_wait3A_216 = arith.constant 0 : i32
    %dma_wait3A_217 = tpu.memref_slice %arg3[%dma_wait3A_215, %dma_wait3A_216] : memref<8192x1024xf32, #tpu.memory_space<hbm>> -> memref<16x1024xf32, #tpu.memory_space<hbm>>
    %dma_wait3A_218 = arith.constant 0 : i32
    %dma_wait3A_219 = arith.constant 0 : i32
    %dma_wait3A_220 = tpu.memref_slice %arg3[%dma_wait3A_218, %dma_wait3A_219] : memref<8192x1024xf32, #tpu.memory_space<hbm>> -> memref<16x1024xf32, #tpu.memory_space<hbm>>
    tpu.wait_dma2 semaphore(%arg15 : memref<!tpu.dma_semaphore, #tpu.memory_space<semaphore_mem>>) src(%dma_wait3A_220 : memref<16x1024xf32, #tpu.memory_space<hbm>>) dst(%arg9 : memref<16x1024xf32, #tpu.memory_space<vmem>>)
    %add3A_221 = arith.constant 912 : i32
    %add3A_222 = arith.addi %mul3A_2, %add3A_221 : i32
    %dma_start3A_223 = arith.constant 0 : i32
    %dma_start3A_224 = tpu.memref_slice %arg4[%add3A_222, %dma_start3A_223] : memref<32768x1024xf32, #tpu.memory_space<hbm>> -> memref<16x1024xf32, #tpu.memory_space<hbm>>
    %dma_start3A_225 = arith.constant 0 : i32
    %dma_start3A_226 = tpu.memref_slice %arg4[%add3A_222, %dma_start3A_225] : memref<32768x1024xf32, #tpu.memory_space<hbm>> -> memref<16x1024xf32, #tpu.memory_space<hbm>>
    tpu.enqueue_dma source(%arg9 : memref<16x1024xf32, #tpu.memory_space<vmem>>) target(%dma_start3A_226 : memref<16x1024xf32, #tpu.memory_space<hbm>>) target_semaphore(%arg21 : memref<!tpu.dma_semaphore, #tpu.memory_space<semaphore_mem>>)
    %dma_wait3A_227 = arith.constant 0 : i32
    %dma_wait3A_228 = tpu.memref_slice %arg4[%mul3A_2, %dma_wait3A_227] : memref<32768x1024xf32, #tpu.memory_space<hbm>> -> memref<16x1024xf32, #tpu.memory_space<hbm>>
    %dma_wait3A_229 = arith.constant 0 : i32
    %dma_wait3A_230 = tpu.memref_slice %arg4[%mul3A_2, %dma_wait3A_229] : memref<32768x1024xf32, #tpu.memory_space<hbm>> -> memref<16x1024xf32, #tpu.memory_space<hbm>>
    tpu.wait_dma2 semaphore(%arg20 : memref<!tpu.dma_semaphore, #tpu.memory_space<semaphore_mem>>) src(%arg8 : memref<16x1024xf32, #tpu.memory_space<vmem>>) dst(%dma_wait3A_230 : memref<16x1024xf32, #tpu.memory_space<hbm>>)
    %dma_start3A_231 = arith.constant 992 : i32
    %dma_start3A_232 = tpu.memref_slice %arg5[%dma_start3A_231] : memref<1024xi32, #tpu.memory_space<vmem>> -> memref<16xi32, #tpu.memory_space<vmem>>
    %dma_start3A_233 = arith.constant 0 : i32
    %dma_start3A_234 = arith.constant 0 : i32
    %dma_start3A_235 = tpu.memref_slice %arg3[%dma_start3A_233, %dma_start3A_234] : memref<8192x1024xf32, #tpu.memory_space<hbm>> -> memref<8192x1024xf32, #tpu.memory_space<hbm>>
    tpu.enqueue_indirect_dma source(%dma_start3A_235 : memref<8192x1024xf32, #tpu.memory_space<hbm>>) target(%arg8 : memref<16x1024xf32, #tpu.memory_space<vmem>>) offsets(%dma_start3A_232 : memref<16xi32, #tpu.memory_space<vmem>>) semaphore(%arg14 : memref<!tpu.dma_semaphore, #tpu.memory_space<semaphore_mem>>)
    %dma_wait3A_236 = arith.constant 0 : i32
    %dma_wait3A_237 = arith.constant 0 : i32
    %dma_wait3A_238 = tpu.memref_slice %arg3[%dma_wait3A_236, %dma_wait3A_237] : memref<8192x1024xf32, #tpu.memory_space<hbm>> -> memref<16x1024xf32, #tpu.memory_space<hbm>>
    %dma_wait3A_239 = arith.constant 0 : i32
    %dma_wait3A_240 = arith.constant 0 : i32
    %dma_wait3A_241 = tpu.memref_slice %arg3[%dma_wait3A_239, %dma_wait3A_240] : memref<8192x1024xf32, #tpu.memory_space<hbm>> -> memref<16x1024xf32, #tpu.memory_space<hbm>>
    tpu.wait_dma2 semaphore(%arg16 : memref<!tpu.dma_semaphore, #tpu.memory_space<semaphore_mem>>) src(%dma_wait3A_241 : memref<16x1024xf32, #tpu.memory_space<hbm>>) dst(%arg10 : memref<16x1024xf32, #tpu.memory_space<vmem>>)
    %add3A_242 = arith.constant 928 : i32
    %add3A_243 = arith.addi %mul3A_2, %add3A_242 : i32
    %dma_start3A_244 = arith.constant 0 : i32
    %dma_start3A_245 = tpu.memref_slice %arg4[%add3A_243, %dma_start3A_244] : memref<32768x1024xf32, #tpu.memory_space<hbm>> -> memref<16x1024xf32, #tpu.memory_space<hbm>>
    %dma_start3A_246 = arith.constant 0 : i32
    %dma_start3A_247 = tpu.memref_slice %arg4[%add3A_243, %dma_start3A_246] : memref<32768x1024xf32, #tpu.memory_space<hbm>> -> memref<16x1024xf32, #tpu.memory_space<hbm>>
    tpu.enqueue_dma source(%arg10 : memref<16x1024xf32, #tpu.memory_space<vmem>>) target(%dma_start3A_247 : memref<16x1024xf32, #tpu.memory_space<hbm>>) target_semaphore(%arg22 : memref<!tpu.dma_semaphore, #tpu.memory_space<semaphore_mem>>)
    %dma_wait3A_248 = arith.constant 0 : i32
    %dma_wait3A_249 = tpu.memref_slice %arg4[%mul3A_2, %dma_wait3A_248] : memref<32768x1024xf32, #tpu.memory_space<hbm>> -> memref<16x1024xf32, #tpu.memory_space<hbm>>
    %dma_wait3A_250 = arith.constant 0 : i32
    %dma_wait3A_251 = tpu.memref_slice %arg4[%mul3A_2, %dma_wait3A_250] : memref<32768x1024xf32, #tpu.memory_space<hbm>> -> memref<16x1024xf32, #tpu.memory_space<hbm>>
    tpu.wait_dma2 semaphore(%arg21 : memref<!tpu.dma_semaphore, #tpu.memory_space<semaphore_mem>>) src(%arg9 : memref<16x1024xf32, #tpu.memory_space<vmem>>) dst(%dma_wait3A_251 : memref<16x1024xf32, #tpu.memory_space<hbm>>)
    %dma_start3A_252 = arith.constant 1008 : i32
    %dma_start3A_253 = tpu.memref_slice %arg5[%dma_start3A_252] : memref<1024xi32, #tpu.memory_space<vmem>> -> memref<16xi32, #tpu.memory_space<vmem>>
    %dma_start3A_254 = arith.constant 0 : i32
    %dma_start3A_255 = arith.constant 0 : i32
    %dma_start3A_256 = tpu.memref_slice %arg3[%dma_start3A_254, %dma_start3A_255] : memref<8192x1024xf32, #tpu.memory_space<hbm>> -> memref<8192x1024xf32, #tpu.memory_space<hbm>>
    tpu.enqueue_indirect_dma source(%dma_start3A_256 : memref<8192x1024xf32, #tpu.memory_space<hbm>>) target(%arg9 : memref<16x1024xf32, #tpu.memory_space<vmem>>) offsets(%dma_start3A_253 : memref<16xi32, #tpu.memory_space<vmem>>) semaphore(%arg15 : memref<!tpu.dma_semaphore, #tpu.memory_space<semaphore_mem>>)
    %dma_wait3A_257 = arith.constant 0 : i32
    %dma_wait3A_258 = arith.constant 0 : i32
    %dma_wait3A_259 = tpu.memref_slice %arg3[%dma_wait3A_257, %dma_wait3A_258] : memref<8192x1024xf32, #tpu.memory_space<hbm>> -> memref<16x1024xf32, #tpu.memory_space<hbm>>
    %dma_wait3A_260 = arith.constant 0 : i32
    %dma_wait3A_261 = arith.constant 0 : i32
    %dma_wait3A_262 = tpu.memref_slice %arg3[%dma_wait3A_260, %dma_wait3A_261] : memref<8192x1024xf32, #tpu.memory_space<hbm>> -> memref<16x1024xf32, #tpu.memory_space<hbm>>
    tpu.wait_dma2 semaphore(%arg17 : memref<!tpu.dma_semaphore, #tpu.memory_space<semaphore_mem>>) src(%dma_wait3A_262 : memref<16x1024xf32, #tpu.memory_space<hbm>>) dst(%arg11 : memref<16x1024xf32, #tpu.memory_space<vmem>>)
    %add3A_263 = arith.constant 944 : i32
    %add3A_264 = arith.addi %mul3A_2, %add3A_263 : i32
    %dma_start3A_265 = arith.constant 0 : i32
    %dma_start3A_266 = tpu.memref_slice %arg4[%add3A_264, %dma_start3A_265] : memref<32768x1024xf32, #tpu.memory_space<hbm>> -> memref<16x1024xf32, #tpu.memory_space<hbm>>
    %dma_start3A_267 = arith.constant 0 : i32
    %dma_start3A_268 = tpu.memref_slice %arg4[%add3A_264, %dma_start3A_267] : memref<32768x1024xf32, #tpu.memory_space<hbm>> -> memref<16x1024xf32, #tpu.memory_space<hbm>>
    tpu.enqueue_dma source(%arg11 : memref<16x1024xf32, #tpu.memory_space<vmem>>) target(%dma_start3A_268 : memref<16x1024xf32, #tpu.memory_space<hbm>>) target_semaphore(%arg23 : memref<!tpu.dma_semaphore, #tpu.memory_space<semaphore_mem>>)
    %dma_wait3A_269 = arith.constant 0 : i32
    %dma_wait3A_270 = arith.constant 0 : i32
    %dma_wait3A_271 = tpu.memref_slice %arg3[%dma_wait3A_269, %dma_wait3A_270] : memref<8192x1024xf32, #tpu.memory_space<hbm>> -> memref<16x1024xf32, #tpu.memory_space<hbm>>
    %dma_wait3A_272 = arith.constant 0 : i32
    %dma_wait3A_273 = arith.constant 0 : i32
    %dma_wait3A_274 = tpu.memref_slice %arg3[%dma_wait3A_272, %dma_wait3A_273] : memref<8192x1024xf32, #tpu.memory_space<hbm>> -> memref<16x1024xf32, #tpu.memory_space<hbm>>
    tpu.wait_dma2 semaphore(%arg12 : memref<!tpu.dma_semaphore, #tpu.memory_space<semaphore_mem>>) src(%dma_wait3A_274 : memref<16x1024xf32, #tpu.memory_space<hbm>>) dst(%arg6 : memref<16x1024xf32, #tpu.memory_space<vmem>>)
    %add3A_275 = arith.constant 960 : i32
    %add3A_276 = arith.addi %mul3A_2, %add3A_275 : i32
    %dma_start3A_277 = arith.constant 0 : i32
    %dma_start3A_278 = tpu.memref_slice %arg4[%add3A_276, %dma_start3A_277] : memref<32768x1024xf32, #tpu.memory_space<hbm>> -> memref<16x1024xf32, #tpu.memory_space<hbm>>
    %dma_start3A_279 = arith.constant 0 : i32
    %dma_start3A_280 = tpu.memref_slice %arg4[%add3A_276, %dma_start3A_279] : memref<32768x1024xf32, #tpu.memory_space<hbm>> -> memref<16x1024xf32, #tpu.memory_space<hbm>>
    tpu.enqueue_dma source(%arg6 : memref<16x1024xf32, #tpu.memory_space<vmem>>) target(%dma_start3A_280 : memref<16x1024xf32, #tpu.memory_space<hbm>>) target_semaphore(%arg18 : memref<!tpu.dma_semaphore, #tpu.memory_space<semaphore_mem>>)
    %dma_wait3A_281 = arith.constant 0 : i32
    %dma_wait3A_282 = arith.constant 0 : i32
    %dma_wait3A_283 = tpu.memref_slice %arg3[%dma_wait3A_281, %dma_wait3A_282] : memref<8192x1024xf32, #tpu.memory_space<hbm>> -> memref<16x1024xf32, #tpu.memory_space<hbm>>
    %dma_wait3A_284 = arith.constant 0 : i32
    %dma_wait3A_285 = arith.constant 0 : i32
    %dma_wait3A_286 = tpu.memref_slice %arg3[%dma_wait3A_284, %dma_wait3A_285] : memref<8192x1024xf32, #tpu.memory_space<hbm>> -> memref<16x1024xf32, #tpu.memory_space<hbm>>
    tpu.wait_dma2 semaphore(%arg13 : memref<!tpu.dma_semaphore, #tpu.memory_space<semaphore_mem>>) src(%dma_wait3A_286 : memref<16x1024xf32, #tpu.memory_space<hbm>>) dst(%arg7 : memref<16x1024xf32, #tpu.memory_space<vmem>>)
    %add3A_287 = arith.constant 976 : i32
    %add3A_288 = arith.addi %mul3A_2, %add3A_287 : i32
    %dma_start3A_289 = arith.constant 0 : i32
    %dma_start3A_290 = tpu.memref_slice %arg4[%add3A_288, %dma_start3A_289] : memref<32768x1024xf32, #tpu.memory_space<hbm>> -> memref<16x1024xf32, #tpu.memory_space<hbm>>
    %dma_start3A_291 = arith.constant 0 : i32
    %dma_start3A_292 = tpu.memref_slice %arg4[%add3A_288, %dma_start3A_291] : memref<32768x1024xf32, #tpu.memory_space<hbm>> -> memref<16x1024xf32, #tpu.memory_space<hbm>>
    tpu.enqueue_dma source(%arg7 : memref<16x1024xf32, #tpu.memory_space<vmem>>) target(%dma_start3A_292 : memref<16x1024xf32, #tpu.memory_space<hbm>>) target_semaphore(%arg19 : memref<!tpu.dma_semaphore, #tpu.memory_space<semaphore_mem>>)
    %dma_wait3A_293 = arith.constant 0 : i32
    %dma_wait3A_294 = arith.constant 0 : i32
    %dma_wait3A_295 = tpu.memref_slice %arg3[%dma_wait3A_293, %dma_wait3A_294] : memref<8192x1024xf32, #tpu.memory_space<hbm>> -> memref<16x1024xf32, #tpu.memory_space<hbm>>
    %dma_wait3A_296 = arith.constant 0 : i32
    %dma_wait3A_297 = arith.constant 0 : i32
    %dma_wait3A_298 = tpu.memref_slice %arg3[%dma_wait3A_296, %dma_wait3A_297] : memref<8192x1024xf32, #tpu.memory_space<hbm>> -> memref<16x1024xf32, #tpu.memory_space<hbm>>
    tpu.wait_dma2 semaphore(%arg14 : memref<!tpu.dma_semaphore, #tpu.memory_space<semaphore_mem>>) src(%dma_wait3A_298 : memref<16x1024xf32, #tpu.memory_space<hbm>>) dst(%arg8 : memref<16x1024xf32, #tpu.memory_space<vmem>>)
    %add3A_299 = arith.constant 992 : i32
    %add3A_300 = arith.addi %mul3A_2, %add3A_299 : i32
    %dma_start3A_301 = arith.constant 0 : i32
    %dma_start3A_302 = tpu.memref_slice %arg4[%add3A_300, %dma_start3A_301] : memref<32768x1024xf32, #tpu.memory_space<hbm>> -> memref<16x1024xf32, #tpu.memory_space<hbm>>
    %dma_start3A_303 = arith.constant 0 : i32
    %dma_start3A_304 = tpu.memref_slice %arg4[%add3A_300, %dma_start3A_303] : memref<32768x1024xf32, #tpu.memory_space<hbm>> -> memref<16x1024xf32, #tpu.memory_space<hbm>>
    tpu.enqueue_dma source(%arg8 : memref<16x1024xf32, #tpu.memory_space<vmem>>) target(%dma_start3A_304 : memref<16x1024xf32, #tpu.memory_space<hbm>>) target_semaphore(%arg20 : memref<!tpu.dma_semaphore, #tpu.memory_space<semaphore_mem>>)
    %dma_wait3A_305 = arith.constant 0 : i32
    %dma_wait3A_306 = arith.constant 0 : i32
    %dma_wait3A_307 = tpu.memref_slice %arg3[%dma_wait3A_305, %dma_wait3A_306] : memref<8192x1024xf32, #tpu.memory_space<hbm>> -> memref<16x1024xf32, #tpu.memory_space<hbm>>
    %dma_wait3A_308 = arith.constant 0 : i32
    %dma_wait3A_309 = arith.constant 0 : i32
    %dma_wait3A_310 = tpu.memref_slice %arg3[%dma_wait3A_308, %dma_wait3A_309] : memref<8192x1024xf32, #tpu.memory_space<hbm>> -> memref<16x1024xf32, #tpu.memory_space<hbm>>
    tpu.wait_dma2 semaphore(%arg15 : memref<!tpu.dma_semaphore, #tpu.memory_space<semaphore_mem>>) src(%dma_wait3A_310 : memref<16x1024xf32, #tpu.memory_space<hbm>>) dst(%arg9 : memref<16x1024xf32, #tpu.memory_space<vmem>>)
    %add3A_311 = arith.constant 1008 : i32
    %add3A_312 = arith.addi %mul3A_2, %add3A_311 : i32
    %dma_start3A_313 = arith.constant 0 : i32
    %dma_start3A_314 = tpu.memref_slice %arg4[%add3A_312, %dma_start3A_313] : memref<32768x1024xf32, #tpu.memory_space<hbm>> -> memref<16x1024xf32, #tpu.memory_space<hbm>>
    %dma_start3A_315 = arith.constant 0 : i32
    %dma_start3A_316 = tpu.memref_slice %arg4[%add3A_312, %dma_start3A_315] : memref<32768x1024xf32, #tpu.memory_space<hbm>> -> memref<16x1024xf32, #tpu.memory_space<hbm>>
    tpu.enqueue_dma source(%arg9 : memref<16x1024xf32, #tpu.memory_space<vmem>>) target(%dma_start3A_316 : memref<16x1024xf32, #tpu.memory_space<hbm>>) target_semaphore(%arg21 : memref<!tpu.dma_semaphore, #tpu.memory_space<semaphore_mem>>)
    %dma_wait3A_317 = arith.constant 0 : i32
    %dma_wait3A_318 = tpu.memref_slice %arg4[%mul3A_2, %dma_wait3A_317] : memref<32768x1024xf32, #tpu.memory_space<hbm>> -> memref<16x1024xf32, #tpu.memory_space<hbm>>
    %dma_wait3A_319 = arith.constant 0 : i32
    %dma_wait3A_320 = tpu.memref_slice %arg4[%mul3A_2, %dma_wait3A_319] : memref<32768x1024xf32, #tpu.memory_space<hbm>> -> memref<16x1024xf32, #tpu.memory_space<hbm>>
    tpu.wait_dma2 semaphore(%arg22 : memref<!tpu.dma_semaphore, #tpu.memory_space<semaphore_mem>>) src(%arg10 : memref<16x1024xf32, #tpu.memory_space<vmem>>) dst(%dma_wait3A_320 : memref<16x1024xf32, #tpu.memory_space<hbm>>)
    %dma_wait3A_321 = arith.constant 0 : i32
    %dma_wait3A_322 = tpu.memref_slice %arg4[%mul3A_2, %dma_wait3A_321] : memref<32768x1024xf32, #tpu.memory_space<hbm>> -> memref<16x1024xf32, #tpu.memory_space<hbm>>
    %dma_wait3A_323 = arith.constant 0 : i32
    %dma_wait3A_324 = tpu.memref_slice %arg4[%mul3A_2, %dma_wait3A_323] : memref<32768x1024xf32, #tpu.memory_space<hbm>> -> memref<16x1024xf32, #tpu.memory_space<hbm>>
    tpu.wait_dma2 semaphore(%arg23 : memref<!tpu.dma_semaphore, #tpu.memory_space<semaphore_mem>>) src(%arg11 : memref<16x1024xf32, #tpu.memory_space<vmem>>) dst(%dma_wait3A_324 : memref<16x1024xf32, #tpu.memory_space<hbm>>)
    %dma_wait3A_325 = arith.constant 0 : i32
    %dma_wait3A_326 = tpu.memref_slice %arg4[%mul3A_2, %dma_wait3A_325] : memref<32768x1024xf32, #tpu.memory_space<hbm>> -> memref<16x1024xf32, #tpu.memory_space<hbm>>
    %dma_wait3A_327 = arith.constant 0 : i32
    %dma_wait3A_328 = tpu.memref_slice %arg4[%mul3A_2, %dma_wait3A_327] : memref<32768x1024xf32, #tpu.memory_space<hbm>> -> memref<16x1024xf32, #tpu.memory_space<hbm>>
    tpu.wait_dma2 semaphore(%arg18 : memref<!tpu.dma_semaphore, #tpu.memory_space<semaphore_mem>>) src(%arg6 : memref<16x1024xf32, #tpu.memory_space<vmem>>) dst(%dma_wait3A_328 : memref<16x1024xf32, #tpu.memory_space<hbm>>)
    %dma_wait3A_329 = arith.constant 0 : i32
    %dma_wait3A_330 = tpu.memref_slice %arg4[%mul3A_2, %dma_wait3A_329] : memref<32768x1024xf32, #tpu.memory_space<hbm>> -> memref<16x1024xf32, #tpu.memory_space<hbm>>
    %dma_wait3A_331 = arith.constant 0 : i32
    %dma_wait3A_332 = tpu.memref_slice %arg4[%mul3A_2, %dma_wait3A_331] : memref<32768x1024xf32, #tpu.memory_space<hbm>> -> memref<16x1024xf32, #tpu.memory_space<hbm>>
    tpu.wait_dma2 semaphore(%arg19 : memref<!tpu.dma_semaphore, #tpu.memory_space<semaphore_mem>>) src(%arg7 : memref<16x1024xf32, #tpu.memory_space<vmem>>) dst(%dma_wait3A_332 : memref<16x1024xf32, #tpu.memory_space<hbm>>)
    %dma_wait3A_333 = arith.constant 0 : i32
    %dma_wait3A_334 = tpu.memref_slice %arg4[%mul3A_2, %dma_wait3A_333] : memref<32768x1024xf32, #tpu.memory_space<hbm>> -> memref<16x1024xf32, #tpu.memory_space<hbm>>
    %dma_wait3A_335 = arith.constant 0 : i32
    %dma_wait3A_336 = tpu.memref_slice %arg4[%mul3A_2, %dma_wait3A_335] : memref<32768x1024xf32, #tpu.memory_space<hbm>> -> memref<16x1024xf32, #tpu.memory_space<hbm>>
    tpu.wait_dma2 semaphore(%arg20 : memref<!tpu.dma_semaphore, #tpu.memory_space<semaphore_mem>>) src(%arg8 : memref<16x1024xf32, #tpu.memory_space<vmem>>) dst(%dma_wait3A_336 : memref<16x1024xf32, #tpu.memory_space<hbm>>)
    %dma_wait3A_337 = arith.constant 0 : i32
    %dma_wait3A_338 = tpu.memref_slice %arg4[%mul3A_2, %dma_wait3A_337] : memref<32768x1024xf32, #tpu.memory_space<hbm>> -> memref<16x1024xf32, #tpu.memory_space<hbm>>
    %dma_wait3A_339 = arith.constant 0 : i32
    %dma_wait3A_340 = tpu.memref_slice %arg4[%mul3A_2, %dma_wait3A_339] : memref<32768x1024xf32, #tpu.memory_space<hbm>> -> memref<16x1024xf32, #tpu.memory_space<hbm>>
    tpu.wait_dma2 semaphore(%arg21 : memref<!tpu.dma_semaphore, #tpu.memory_space<semaphore_mem>>) src(%arg9 : memref<16x1024xf32, #tpu.memory_space<vmem>>) dst(%dma_wait3A_340 : memref<16x1024xf32, #tpu.memory_space<hbm>>)
    return
  }
}

</mosaic_0001>

<sc_bundles>
// kernel: kernel.3.cloned.1.call-start
scs
__scs_entry_jumppad:
0x0: {  	(pc) =	sbr.rel $0x88, $3  }
0x1: {  	(tag) =	ssettag $0x0;
	lr =	simm.s32 $0x1  }
0x2: {  	[smem:$0x3F9F] =	sst lr;
	_ =	strace $0xD0000000  }
0x3: {  	_ = 	snop  }
0x4: {  	_ = 	snop  }
0x5: {  	_ = 	snop  }
0x6: {  	_ = 	snop  }
0x7: {  	_ = 	snop  }
__scs_overlays_trampoline_lowered:
0x8: {  	[smem:$0x3FAE] =	sst s0  }
0x9: {  	[smem:$0x3FAF] =	sst s1  }
0xa: {  	[smem:$0x3FB0] =	sst s2  }
0xb: {  	[smem:$0x3FB1] =	sst s3  }
0xc: {  	[smem:$0x3FB2] =	sst s4  }
0xd: {  	[smem:$0x3FB3] =	sst s5  }
0xe: {  	[smem:$0x3FB4] =	sst s6  }
0xf: {  	[smem:$0x3FB5] =	sst s7  }
0x10: {  	[smem:$0x3FB6] =	sst s8  }
0x11: {  	[smem:$0x3FB7] =	sst s9;
	s0 =	simm.s32 @!p0 $0x0  }
0x12: {  	s1 =	sld [smem:$0x3F9D];
	s0 =	simm.s32 @p0 $0x1  }
0x13: {  	[smem:$0x3FB8] =	sst s0;
	s0 =	simm.s32 @!p1 $0x0  }
0x14: {  	s2 =	sld [smem:$0x3F9C];
	s0 =	simm.s32 @p1 $0x1  }
0x15: {  	[smem:$0x3FB9] =	sst s0;
	s0 =	simm.s32 @!p2 $0x0  }
0x16: {  	s3 =	sld [smem:$0x3FDB];
	s0 =	simm.s32 @p2 $0x1  }
0x17: {  	s4 =	simm.s32 $0x1BF5;
	[smem:$0x3FBB] =	sst s0  }
0x18: {  	s0 =	sld [smem:$0x3F9E];
	_ =	swait.ge [sflag:s4], $0x0  }
0x19: {  	s7 =	sld [smem:$0x3F9F]  }
0x1a: {  	s8 =	sadd.s32 $0xFFFFE003, lr  }
0x1b: {  	s9 =	sadd.s32 $0xFFFFFEF7, lr;
	s5 =	simm.s32 $0xFFFFFFFF;
	p2 =	slt.u32 s8, $0xFFFFF086  }
0x1c: {  	p1 =	slt.u32 s9, $0xF7A;
	s5 =	simm.s32 @!p2 $0x0  }
0x1d: {  	s5 =	simm.s32 @p1 $0x1;
	p0 =	seq.s32 s7, s2  }
0x1e: {  	s7 =	smul.u32 @!p0 $0xF7A, s2;
	p2 =	seq.s32 @!p0 s5, $0x0  }
0x1f: {  	s9 =	smul.u32 $0xF7A, s1;
	s8 =	simm.s32 @!p0 $0x1BF5;
	p2 =	por !p2, p0  }
0x20: {  	[sflag:s8] =	ssyncset.s32 @!p0 $0xFFFFF086;
	s6 =	sadd.s32 @!p0 s3, s7;
	s7 =	simm.s32 @!p0 $0x108  }
0x21: {  	s3 =	sadd.s32 s3, s9;
	s6 =	sadd.s32 @!p0 $0x88, s6;
	s7 =	simm.s32 @p2 $0x1082  }
0x22: {  	[simem:s7], [sflag:s8] =	dma.local @!p0 [hbm:s6], $0xF7A  }
0x23: {  	s9 =	sor.u32 $0xD0000000, s2;
	s6 =	simm.s32 $0x108;
	_ =	swait.ge @!p0 [sflag:s8], $0x0  }
0x24: {  	s3 =	sadd.s32 $0x88, s3;
	s6 =	simm.s32 @!p1 $0x1082;
	[sflag:s4] =	ssyncset.s32 $0xFFFFF086  }
0x25: {  	[simem:s6], [sflag:s4] =	dma.local [hbm:s3], $0xF7A  }
0x26: {  	[smem:$0x3F9F] =	sst s1;
	(tag) =	ssettag s2;
	_ =	strace s9  }
0x27: {  	s1 =	sld [smem:$0x3FAF]  }
0x28: {  	s2 =	sld [smem:$0x3FB0]  }
0x29: {  	s4 =	sld [smem:$0x3FB2]  }
0x2a: {  	p0 =	seq.s32 s5, $0x0;
	s5 =	sld [smem:$0x3FB3]  }
0x2b: {  	s6 =	sld [smem:$0x3FB4]  }
0x2c: {  	s7 =	sld [smem:$0x3FB5]  }
0x2d: {  	s3 =	simm.s32 $0x108;
	s8 =	sld [smem:$0x3FB6]  }
0x2e: {  	s3 =	simm.s32 @!p0 $0x1082;
	s9 =	sld [smem:$0x3FB7]  }
0x2f: {  	lr =	sadd.s32 s0, s3;
	s0 =	sld [smem:$0x3FAE]  }
0x30: {  	s3 =	sld [smem:$0x3FB1]  }
0x31: {  	[smem:$0x3FBA] =	sst s10  }
0x32: {  	s10 =	sld [smem:$0x3FB8];
	_ =	sdelay $0x3  }
0x33: {  	p0 =	seq.s32 s10, $0x1;
	s10 =	sld [smem:$0x3FBA];
	_ =	sdelay $0x3  }
0x34: {  	[smem:$0x3FBA] =	sst s10  }
0x35: {  	s10 =	sld [smem:$0x3FB9];
	_ =	sdelay $0x3  }
0x36: {  	p1 =	seq.s32 s10, $0x1;
	s10 =	sld [smem:$0x3FBA];
	_ =	sdelay $0x3  }
0x37: {  	[smem:$0x3FBA] =	sst s10  }
0x38: {  	s10 =	sld [smem:$0x3FBB]  }
0x39: {  	_ = 	snop;
	(pc) =	sbr.ind lr, $3  }
0x3a: {  	_ = 	snop  }
0x3b: {  	_ = 	snop  }
0x3c: {  	p2 =	seq.s32 s10, $0x1;
	s10 =	sld [smem:$0x3FBA]  }
0x3d: {  	_ =	shalt  }
0x3e: {  	_ =	shalt  }
0x3f: {  	_ =	shalt  }
0x40: {  	_ =	shalt  }
0x41: {  	_ =	shalt  }
0x42: {  	_ =	shalt  }
0x43: {  	_ =	shalt  }
0x44: {  	_ =	shalt  }
0x45: {  	_ =	shalt  }
0x46: {  	_ =	shalt  }
0x47: {  	_ =	shalt  }
0x48: {  	_ =	shalt  }
0x49: {  	_ =	shalt  }
0x4a: {  	_ =	shalt  }
0x4b: {  	_ =	shalt  }
0x4c: {  	_ =	shalt  }
0x4d: {  	_ =	shalt  }
0x4e: {  	_ =	shalt  }
0x4f: {  	_ =	shalt  }
0x50: {  	_ =	shalt  }
0x51: {  	_ =	shalt  }
0x52: {  	_ =	shalt  }
0x53: {  	_ =	shalt  }
0x54: {  	_ =	shalt  }
0x55: {  	_ =	shalt  }
0x56: {  	_ =	shalt  }
0x57: {  	_ =	shalt  }
0x58: {  	_ =	shalt  }
0x59: {  	_ =	shalt  }
0x5a: {  	_ =	shalt  }
0x5b: {  	_ =	shalt  }
0x5c: {  	_ =	shalt  }
0x5d: {  	_ =	shalt  }
0x5e: {  	_ =	shalt  }
0x5f: {  	_ =	shalt  }
0x60: {  	_ =	shalt  }
0x61: {  	_ =	shalt  }
0x62: {  	_ =	shalt  }
0x63: {  	_ =	shalt  }
0x64: {  	_ =	shalt  }
0x65: {  	_ =	shalt  }
0x66: {  	_ =	shalt  }
0x67: {  	_ =	shalt  }
0x68: {  	_ =	shalt  }
0x69: {  	_ =	shalt  }
0x6a: {  	_ =	shalt  }
0x6b: {  	_ =	shalt  }
0x6c: {  	_ =	shalt  }
0x6d: {  	_ =	shalt  }
0x6e: {  	_ =	shalt  }
0x6f: {  	_ =	shalt  }
0x70: {  	_ =	shalt  }
0x71: {  	_ =	shalt  }
0x72: {  	_ =	shalt  }
0x73: {  	_ =	shalt  }
0x74: {  	_ =	shalt  }
0x75: {  	_ =	shalt  }
0x76: {  	_ =	shalt  }
0x77: {  	_ =	shalt  }
0x78: {  	_ =	shalt  }
0x79: {  	_ =	shalt  }
0x7a: {  	_ =	shalt  }
0x7b: {  	_ =	shalt  }
0x7c: {  	_ =	shalt  }
0x7d: {  	_ =	shalt  }
0x7e: {  	_ =	shalt  }
0x7f: {  	_ =	shalt  }
0x80: {  	_ =	shalt  }
0x81: {  	_ =	shalt  }
0x82: {  	_ =	shalt  }
0x83: {  	_ =	shalt  }
0x84: {  	_ =	shalt  }
0x85: {  	_ =	shalt  }
0x86: {  	_ =	shalt  }
0x87: {  	_ =	shalt  }
.Lfunc_end0:
.L_simem_size_0:
called_computation_lowered:
.L_overlay_start_0:
0x88: {  	s2 =	sld [smem:$0x3FD9]  }
0x89: {  	s3 =	sld [smem:$0x3FFE];
	_ =	sdelay $0x1  }
0x8a: {  	s1 =	srdreg.scid  }
0x8b: {  	s0 =	sand.u32 $0x1, s1  }
0x8c: {  	s18 =	sshll.u32 s0, $0xA;
	s2 =	sadd.s32 s3, s2  }
0x8d: {  	s2 =	sadd.s32 s2, s18  }
0x8e: {  	[smem:$0x3FC6] =	sst s2  }
0x8f: {  	_ = 	snop  }
0x90: {  	s2 =	sld [smem:$0x3FC9]  }
0x91: {  	s19 =	sld [smem:$0x3FC8]  }
0x92: {  	s4 =	sld [smem:$0x3FD0];
	(tm) =	ssettm $0x1  }
0x93: {  	s5 =	sld [smem:$0x3FFB];
	_ =	sdelay $0x3  }
0x94: {  	_ =	strace s5  }
0x95: {  	s5 =	sld [smem:$0x3FFC];
	_ =	sdelay $0x3  }
0x96: {  	_ =	strace s5  }
0x97: {  	s5 =	sld [smem:$0x3FFD];
	_ =	sdelay $0x3  }
0x98: {  	_ =	strace s5  }
0x99: {  	_ =	strace $0x8FFFFFFF  }
0x9a: {  	s20 =	sld [smem:$0x3FDB];
	_ =	sdelay $0x1  }
0x9b: {  	s6 =	simm.s32 $_scs_section_size  }
0x9c: {  	s7 =	simm.s32 $_size__tile_overlayer_lowered;
	s8 =	simm.s32 $_tile_overlayer_lowered  }
0x9d: {  	s23 =	simm.s32 $0x1BFF;
	s22 =	sshll.u32 s8, $0x1;
	s5 =	sadd.s32 s6, s20  }
0x9e: {  	s9 =	simm.s32 $0x0;
	s21 =	sshll.u32 s7, $0x1;
	s7 =	sadd.s32 s22, s5  }
0x9f: {  	[timem:s9], [sflag:s23] =	dma.local [hbm:s7], s21  }
0xa0: {  	_ =	swait.ge [sflag:s23], s21  }
0xa1: {  	s6 =	ssub.s32 $0x0, s21;
	[sflag:s23] =	ssyncset.done $0x0  }
0xa2: {  	[sflag:s23] =	ssyncadd.s32 s6;
	_ =	sdelay $0x1  }
0xa3: {  	s24 =	simm.s32 $0x1B8B  }
0xa4: {  	_ =	swait.ge [sflag:s24], $0x1  }
0xa5: {  	[sflag:s24] =	ssyncset.done $0x0  }
0xa6: {  	s25 =	simm.s32 $0x1B8E;
	[sflag:s24] =	ssyncadd.s32 $0xFFFFFFFF  }
0xa7: {  	s26 =	simm.s32 $execute0_lowered;
	[smem:$0x3FD2] =	sst s25  }
0xa8: {  	s6 =	sshll.u32 s26, $0x1;
	_ =	strace $0x80000046;
	[dreg:$0x1] =	wrdreg $0xFFFFFFFF  }
0xa9: {  	s28 =	simm.s32 $_size_execute0_lowered;
	s5 =	sadd.s32 s5, s6;
	[dreg:$0x0] =	wrdreg $0x0  }
0xaa: {  	s6 =	sshll.u32 s28, $0x1;
	[dreg:$0x2] =	wrdreg s5  }
0xab: {  	[dreg:$0x3] =	wrdreg s6  }
0xac: {  	[dreg:$0x4] =	wrdreg $0xC0  }
0xad: {  	_ =	task [dreg:s9], $0x5FFFF  }
0xae: {  	[dreg:$0x1] =	wrdreg $0xFFFFFFFF  }
0xaf: {  	[dreg:$0x0] =	wrdreg $0x60  }
0xb0: {  	[dreg:$0x2] =	wrdreg s2  }
0xb1: {  	[dreg:$0x3] =	wrdreg s19  }
0xb2: {  	[dreg:$0x4] =	wrdreg s4  }
0xb3: {  	[dreg:$0x5] =	wrdreg $0x9  }
0xb4: {  	_ =	task.clear_ibuf [dreg:s9], $0x6FFFF;
	_ =	strace $0x90000046  }
0xb5: {  	s29 =	simm.s32 $0x9;
	_ =	strace $0x80000048  }
0xb6: {  	_ =	swait.ge [sflag:s29], $0x1  }
0xb7: {  	[sflag:s29] =	ssyncadd.s32 $0xFFFFFFFF  }
0xb8: {  	_ =	strace $0x90000048  }
0xb9: {  	_ =	sfence  }
0xba: {  	s30 =	sld [smem:$0x0];
	_ =	sdelay $0x2  }
0xbb: {  	s31 =	sshll.u32 s1, $0xD;
	s1 =	sshrl.u32 s1, $0x2  }
0xbc: {  	s3 =	sand.u32 $0x4000, s31;
	s1 =	sadd.s32 s1, s30  }
0xbd: {  	s0 =	sor.u32 s3, s0;
	s1 =	sshll.u32 s1, $0x11  }
0xbe: {  	s0 =	sor.u32 s1, s0  }
0xbf: {  	s0 =	sadd.s32 $0x8F2B, s0  }
0xc0: {  	[sflag:s0] =	ssyncadd.remote.s32 $0x1  }
0xc1: {  	_ =	sfence.sel $0xFFFF  }
0xc2: {  	[dreg:$0x0] =	wrdreg $0xFFFFFFFF;
	(pc) =	sbr.abs _section_cstart, $3  }
0xc3: {  	[dreg:$0x1] =	wrdreg $0xFFFFFFFF  }
0xc4: {  	_ =	task.clear_ibuf [dreg:s9], $0x2FFFF;
	_ =	strace $0x9FFFFFFF  }
0xc5: {  	(tm) =	ssettm $0x7FFFFFFF  }
tec
execute0_lowered:
.L_overlay_start_1:
0x0: {  	(tag) =	ssettag $0x1  }
0x1: {  	s0 =	rddreg [dreg:$0x0]  }
0x2: {  	s2 =	rddreg [dreg:$0x1];
	s3 =	srdreg.scid  }
0x3: {  	s1 =	rddreg [dreg:$0x2];
	s9 =	stileid.u32;
	s4 =	sand.u32 $0x1, s3  }
0x4: {  	s3 =	simm.s32 $0x0;
	s5 =	sshll.u32 s9, $0xB;
	s6 =	sshll.u32 s4, $0xA  }
0x5: {  	[smem:$0x7FF] =	sst s3;
	s5 =	sor.u32 s6, s5  }
0x6: {  	s7 =	ssub.s32 $0x2, s4;
	_ =	strace $0x80000047;
	s8 =	sshrl.u32 s5, $0x3  }
0x7: {  	s10 =	sshrl.u32 s7, $0x1;
	s11 =	sshll.u32 s5, $0x7;
	s0 =	sadd.s32 s0, s8  }
0x8: {  	s7 =	ssub.s32 s7, s10;
	s10 =	sadd.s32 s1, s11;
	[dreg:$0x5] =	wrdreg s0  }
0x9: {  	s31 =	smax.u32 s7, $0x1;
	[dreg:$0x6] =	wrdreg s10  }
0xa: {  	s0 =	sadd.s32 $0x800, s10;
	[dreg:$0x16] =	wrdreg s31  }
0xb: {  	s12 =	sadd.s32 $0x1000, s10;
	[dreg:$0x7] =	wrdreg s0  }
0xc: {  	s13 =	sadd.s32 $0x1800, s10;
	[dreg:$0x8] =	wrdreg s12  }
0xd: {  	s14 =	sadd.s32 $0x2000, s10;
	[dreg:$0x9] =	wrdreg s13  }
0xe: {  	s15 =	sadd.s32 $0x2800, s10;
	[dreg:$0xa] =	wrdreg s14  }
0xf: {  	s16 =	sadd.s32 $0x1B000, s10;
	[dreg:$0xb] =	wrdreg s15  }
0x10: {  	s17 =	sadd.s32 $0x1B800, s10;
	[dreg:$0xc] =	wrdreg s16  }
0x11: {  	s28 =	simm.s32 $0x6;
	s18 =	sadd.s32 $0x1C000, s10;
	[dreg:$0xd] =	wrdreg s17  }
0x12: {  	s29 =	simm.s32 $0xC;
	s19 =	sadd.s32 $0x1C800, s10;
	[dreg:$0xe] =	wrdreg s18  }
0x13: {  	s24 =	sshll.u32 s9, $0x12;
	s20 =	sadd.s32 $0x1D000, s10;
	[dreg:$0xf] =	wrdreg s19  }
0x14: {  	s26 =	sshll.u32 s4, $0x11;
	s21 =	sadd.s32 $0x1D800, s10;
	[dreg:$0x10] =	wrdreg s20  }
0x15: {  	s6 =	sadd.s32 $0x200, s2;
	s22 =	sadd.s32 $0x1E000, s10;
	[dreg:$0x11] =	wrdreg s21  }
0x16: {  	s5 =	sadd.s32 $0x100, s2;
	s23 =	sadd.s32 $0x1E800, s10;
	[dreg:$0x12] =	wrdreg s22  }
0x17: {  	s8 =	sadd.s32 $0x300, s2;
	s25 =	sadd.s32 $0x1F000, s10;
	[dreg:$0x13] =	wrdreg s23  }
0x18: {  	s30 =	sadd.s32 $0x1F800, s10;
	s10 =	simm.s32 $0x3;
	[dreg:$0x14] =	wrdreg s25  }
0x19: {  	s0 =	sadd.s32 s24, s1;
	[dreg:$0x15] =	wrdreg s30;
	s1 =	simm.s32 $0x11400  }
0x1a: {  	s14 =	simm.s32 $0x11C00;
	s21 =	simm.s32 $0x12400;
	s16 =	simm.s32 $0x1  }
0x1b: {  	s15 =	simm.s32 $0x2;
	s22 =	simm.s32 $0x7;
	s23 =	simm.s32 $0x8  }
0x1c: {  	v2 =	vlaneseq.u32;
	s24 =	simm.s32 $0x4;
	s18 =	simm.s32 $0x9;
	s25 =	simm.s32 $0x5  }
0x1d: {  	vm0 =	vmmov $0xffff;
	v1 =	vshrl.u32 v2, $0x3;
	s12 =	simm.s32 $0xA;
	s19 =	simm.s32 $0xB;
	s0 =	sadd.s32 s26, s0  }
0x1e: {  	v0 =	vand.u32 $0x7, v2;
	v2 =	vor.u32 $0x8, v2;
	v1 =	vmul.u32 $0x8, v1;
	s20 =	simm.s32 $0x0;
	[dreg:$0x4] =	wrdreg s0;
	s0 =	simm.s32 $0x10C00  }
.LBB2_1:
0x1f: {  	[dreg:$0x17] =	wrdreg s20  }
0x20: {  	s13 =	rddreg [dreg:$0x5];
	s7 =	simm.s32 $0xD  }
0x21: {  	[tilespmem:s3], [sflag:$0xD] =	stream.linear.gather [hbm4b:s13+s3], $0x400, $0x38;
	[tilespmem:$0x18400] =	vst v63  }
0x22: {  	_ =	swait.ge [sflag:s7], $0x400  }
0x23: {  	[sflag:s7] =	ssyncset.done $0x0  }
0x24: {  	[sflag:s7] =	ssyncadd.s32 $0xFFFFFC00  }
0x25: {  	v3 =	vld [tilespmem:$0x0];
	_ =	sdelay $0x4  }
0x26: {  	v4 =	vshll.u32 v3, $0x3  }
0x27: {  	v3 =	vand.u32 $0x7, v3;
	v4 =	vand.u32 $0xFFFFFFC0, v4  }
0x28: {  	v3 =	vor.u32 v3, v4  }
0x29: {  	v4 =	vperm.xlane v3, v0;
	_ =	sdelay $0x1  }
0x2a: {  	v4 =	vadd.s32 v1, v4;
	_ =	sdelay $0x3  }
0x2b: {  	s26 =	simm.s32 $0x400  }
0x2c: {  	[tilespmem:s26], [sflag:$0x1] =	stream.indirect_vreg.gather [hbm4b:s2+s3], $0x80, v4, vm0, $0xb8;
	[tilespmem:$0x18400] =	vst v63  }
0x2d: {  	s20 =	simm.s32 $0xC00;
	v3 =	vperm.xlane v3, v2  }
0x2e: {  	[tilespmem:s20], [sflag:$0x1] =	stream.indirect_vreg.gather [hbm4b:s5+s3], $0x80, v4, vm0, $0xb8;
	[tilespmem:$0x18400] =	vst v63  }
0x2f: {  	s30 =	simm.s32 $0x1400;
	v3 =	vadd.s32 v1, v3  }
0x30: {  	[tilespmem:s30], [sflag:$0x1] =	stream.indirect_vreg.gather [hbm4b:s6+s3], $0x80, v4, vm0, $0xb8;
	[tilespmem:$0x18400] =	vst v63  }
0x31: {  	s31 =	simm.s32 $0x1C00  }
0x32: {  	[tilespmem:s31], [sflag:$0x1] =	stream.indirect_vreg.gather [hbm4b:s8+s3], $0x80, v4, vm0, $0xb8;
	[tilespmem:$0x18400] =	vst v63  }
0x33: {  	s4 =	simm.s32 $0x2400  }
0x34: {  	[tilespmem:s4], [sflag:$0x1] =	stream.indirect_vreg.gather [hbm4b:s2+s3], $0x80, v3, vm0, $0xb8;
	[tilespmem:$0x18400] =	vst v63  }
0x35: {  	s9 =	simm.s32 $0x2C00  }
0x36: {  	[tilespmem:s9], [sflag:$0x1] =	stream.indirect_vreg.gather [hbm4b:s5+s3], $0x80, v3, vm0, $0xb8;
	[tilespmem:$0x18400] =	vst v63  }
0x37: {  	s11 =	simm.s32 $0x3400  }
0x38: {  	[tilespmem:s11], [sflag:$0x1] =	stream.indirect_vreg.gather [hbm4b:s6+s3], $0x80, v3, vm0, $0xb8;
	[tilespmem:$0x18400] =	vst v63  }
0x39: {  	s13 =	simm.s32 $0x3C00  }
0x3a: {  	[tilespmem:s13], [sflag:$0x1] =	stream.indirect_vreg.gather [hbm4b:s8+s3], $0x80, v3, vm0, $0xb8;
	[tilespmem:$0x18400] =	vst v63  }
0x3b: {  	v3 =	vld [tilespmem:$0x10];
	_ =	sdelay $0x4  }
0x3c: {  	v54 =	vshll.u32 v3, $0x3  }
0x3d: {  	v3 =	vand.u32 $0x7, v3;
	v4 =	vand.u32 $0xFFFFFFC0, v54  }
0x3e: {  	v3 =	vor.u32 v3, v4  }
0x3f: {  	v4 =	vperm.xlane v3, v0;
	_ =	sdelay $0x1  }
0x40: {  	v4 =	vadd.s32 v1, v4;
	_ =	sdelay $0x3  }
0x41: {  	s9 =	simm.s32 $0x4400  }
0x42: {  	[tilespmem:s9], [sflag:$0x2] =	stream.indirect_vreg.gather [hbm4b:s2+s3], $0x80, v4, vm0, $0xb8;
	[tilespmem:$0x18400] =	vst v63  }
0x43: {  	s17 =	simm.s32 $0x4C00;
	v3 =	vperm.xlane v3, v2  }
0x44: {  	[tilespmem:s17], [sflag:$0x2] =	stream.indirect_vreg.gather [hbm4b:s5+s3], $0x80, v4, vm0, $0xb8;
	[tilespmem:$0x18400] =	vst v63  }
0x45: {  	s7 =	simm.s32 $0x5400;
	v3 =	vadd.s32 v1, v3  }
0x46: {  	[tilespmem:s7], [sflag:$0x2] =	stream.indirect_vreg.gather [hbm4b:s6+s3], $0x80, v4, vm0, $0xb8;
	[tilespmem:$0x18400] =	vst v63  }
0x47: {  	s11 =	simm.s32 $0x5C00  }
0x48: {  	[tilespmem:s11], [sflag:$0x2] =	stream.indirect_vreg.gather [hbm4b:s8+s3], $0x80, v4, vm0, $0xb8;
	[tilespmem:$0x18400] =	vst v63  }
0x49: {  	s13 =	simm.s32 $0x6400  }
0x4a: {  	[tilespmem:s13], [sflag:$0x2] =	stream.indirect_vreg.gather [hbm4b:s2+s3], $0x80, v3, vm0, $0xb8;
	[tilespmem:$0x18400] =	vst v63  }
0x4b: {  	s17 =	simm.s32 $0x6C00  }
0x4c: {  	[tilespmem:s17], [sflag:$0x2] =	stream.indirect_vreg.gather [hbm4b:s5+s3], $0x80, v3, vm0, $0xb8;
	[tilespmem:$0x18400] =	vst v63  }
0x4d: {  	s7 =	simm.s32 $0x7400  }
0x4e: {  	[tilespmem:s7], [sflag:$0x2] =	stream.indirect_vreg.gather [hbm4b:s6+s3], $0x80, v3, vm0, $0xb8;
	[tilespmem:$0x18400] =	vst v63  }
0x4f: {  	s11 =	simm.s32 $0x7C00  }
0x50: {  	[tilespmem:s11], [sflag:$0x2] =	stream.indirect_vreg.gather [hbm4b:s8+s3], $0x80, v3, vm0, $0xb8;
	[tilespmem:$0x18400] =	vst v63  }
0x51: {  	v3 =	vld [tilespmem:$0x20];
	_ =	sdelay $0x4  }
0x52: {  	v55 =	vshll.u32 v3, $0x3  }
0x53: {  	v3 =	vand.u32 $0x7, v3;
	v4 =	vand.u32 $0xFFFFFFC0, v55  }
0x54: {  	v3 =	vor.u32 v3, v4  }
0x55: {  	v4 =	vperm.xlane v3, v0;
	_ =	sdelay $0x1  }
0x56: {  	v4 =	vadd.s32 v1, v4;
	_ =	sdelay $0x3  }
0x57: {  	s17 =	simm.s32 $0x8400  }
0x58: {  	[tilespmem:s17], [sflag:$0x3] =	stream.indirect_vreg.gather [hbm4b:s2+s3], $0x80, v4, vm0, $0xb8;
	[tilespmem:$0x18400] =	vst v63  }
0x59: {  	s13 =	simm.s32 $0x8C00;
	v3 =	vperm.xlane v3, v2  }
0x5a: {  	[tilespmem:s13], [sflag:$0x3] =	stream.indirect_vreg.gather [hbm4b:s5+s3], $0x80, v4, vm0, $0xb8;
	[tilespmem:$0x18400] =	vst v63  }
0x5b: {  	s7 =	simm.s32 $0x9400;
	v3 =	vadd.s32 v1, v3  }
0x5c: {  	[tilespmem:s7], [sflag:$0x3] =	stream.indirect_vreg.gather [hbm4b:s6+s3], $0x80, v4, vm0, $0xb8;
	[tilespmem:$0x18400] =	vst v63  }
0x5d: {  	s11 =	simm.s32 $0x9C00  }
0x5e: {  	[tilespmem:s11], [sflag:$0x3] =	stream.indirect_vreg.gather [hbm4b:s8+s3], $0x80, v4, vm0, $0xb8;
	[tilespmem:$0x18400] =	vst v63  }
0x5f: {  	s13 =	simm.s32 $0xA400  }
0x60: {  	[tilespmem:s13], [sflag:$0x3] =	stream.indirect_vreg.gather [hbm4b:s2+s3], $0x80, v3, vm0, $0xb8;
	[tilespmem:$0x18400] =	vst v63  }
0x61: {  	s7 =	simm.s32 $0xAC00  }
0x62: {  	[tilespmem:s7], [sflag:$0x3] =	stream.indirect_vreg.gather [hbm4b:s5+s3], $0x80, v3, vm0, $0xb8;
	[tilespmem:$0x18400] =	vst v63  }
0x63: {  	s11 =	simm.s32 $0xB400  }
0x64: {  	[tilespmem:s11], [sflag:$0x3] =	stream.indirect_vreg.gather [hbm4b:s6+s3], $0x80, v3, vm0, $0xb8;
	[tilespmem:$0x18400] =	vst v63  }
0x65: {  	s13 =	simm.s32 $0xBC00  }
0x66: {  	[tilespmem:s13], [sflag:$0x3] =	stream.indirect_vreg.gather [hbm4b:s8+s3], $0x80, v3, vm0, $0xb8;
	[tilespmem:$0x18400] =	vst v63  }
0x67: {  	v3 =	vld [tilespmem:$0x30];
	_ =	sdelay $0x4  }
0x68: {  	v56 =	vshll.u32 v3, $0x3  }
0x69: {  	v3 =	vand.u32 $0x7, v3;
	v4 =	vand.u32 $0xFFFFFFC0, v56  }
0x6a: {  	v3 =	vor.u32 v3, v4  }
0x6b: {  	v4 =	vperm.xlane v3, v0;
	_ =	sdelay $0x1  }
0x6c: {  	v4 =	vadd.s32 v1, v4;
	_ =	sdelay $0x3  }
0x6d: {  	s11 =	simm.s32 $0xC400  }
0x6e: {  	[tilespmem:s11], [sflag:$0x4] =	stream.indirect_vreg.gather [hbm4b:s2+s3], $0x80, v4, vm0, $0xb8;
	[tilespmem:$0x18400] =	vst v63  }
0x6f: {  	s7 =	simm.s32 $0xCC00;
	v3 =	vperm.xlane v3, v2  }
0x70: {  	[tilespmem:s7], [sflag:$0x4] =	stream.indirect_vreg.gather [hbm4b:s5+s3], $0x80, v4, vm0, $0xb8;
	[tilespmem:$0x18400] =	vst v63  }
0x71: {  	s13 =	simm.s32 $0xD400;
	v3 =	vadd.s32 v1, v3  }
0x72: {  	[tilespmem:s13], [sflag:$0x4] =	stream.indirect_vreg.gather [hbm4b:s6+s3], $0x80, v4, vm0, $0xb8;
	[tilespmem:$0x18400] =	vst v63  }
0x73: {  	s7 =	simm.s32 $0xDC00  }
0x74: {  	[tilespmem:s7], [sflag:$0x4] =	stream.indirect_vreg.gather [hbm4b:s8+s3], $0x80, v4, vm0, $0xb8;
	[tilespmem:$0x18400] =	vst v63  }
0x75: {  	s13 =	simm.s32 $0xE400  }
0x76: {  	[tilespmem:s13], [sflag:$0x4] =	stream.indirect_vreg.gather [hbm4b:s2+s3], $0x80, v3, vm0, $0xb8;
	[tilespmem:$0x18400] =	vst v63  }
0x77: {  	s7 =	simm.s32 $0xEC00  }
0x78: {  	[tilespmem:s7], [sflag:$0x4] =	stream.indirect_vreg.gather [hbm4b:s5+s3], $0x80, v3, vm0, $0xb8;
	[tilespmem:$0x18400] =	vst v63  }
0x79: {  	s13 =	simm.s32 $0xF400  }
0x7a: {  	[tilespmem:s13], [sflag:$0x4] =	stream.indirect_vreg.gather [hbm4b:s6+s3], $0x80, v3, vm0, $0xb8;
	[tilespmem:$0x18400] =	vst v63  }
0x7b: {  	s7 =	simm.s32 $0xFC00  }
0x7c: {  	[tilespmem:s7], [sflag:$0x4] =	stream.indirect_vreg.gather [hbm4b:s8+s3], $0x80, v3, vm0, $0xb8;
	[tilespmem:$0x18400] =	vst v63  }
0x7d: {  	v3 =	vld [tilespmem:$0x40];
	_ =	sdelay $0x4  }
0x7e: {  	v57 =	vshll.u32 v3, $0x3  }
0x7f: {  	v3 =	vand.u32 $0x7, v3;
	v4 =	vand.u32 $0xFFFFFFC0, v57  }
0x80: {  	v3 =	vor.u32 v3, v4  }
0x81: {  	v4 =	vperm.xlane v3, v0;
	_ =	sdelay $0x1  }
0x82: {  	v4 =	vadd.s32 v1, v4;
	_ =	sdelay $0x3  }
0x83: {  	s4 =	simm.s32 $0x10400  }
0x84: {  	[tilespmem:s4], [sflag:$0x5] =	stream.indirect_vreg.gather [hbm4b:s2+s3], $0x80, v4, vm0, $0xb8;
	[tilespmem:$0x18400] =	vst v63  }
0x85: {  	v3 =	vperm.xlane v3, v2  }
0x86: {  	[tilespmem:s0], [sflag:$0x5] =	stream.indirect_vreg.gather [hbm4b:s5+s3], $0x80, v4, vm0, $0xb8;
	[tilespmem:$0x18400] =	vst v63  }
0x87: {  	v3 =	vadd.s32 v1, v3  }
0x88: {  	[tilespmem:s1], [sflag:$0x5] =	stream.indirect_vreg.gather [hbm4b:s6+s3], $0x80, v4, vm0, $0xb8;
	[tilespmem:$0x18400] =	vst v63  }
0x89: {  	_ = 	snop  }
0x8a: {  	[tilespmem:s14], [sflag:$0x5] =	stream.indirect_vreg.gather [hbm4b:s8+s3], $0x80, v4, vm0, $0xb8;
	[tilespmem:$0x18400] =	vst v63  }
0x8b: {  	_ = 	snop  }
0x8c: {  	[tilespmem:s21], [sflag:$0x5] =	stream.indirect_vreg.gather [hbm4b:s2+s3], $0x80, v3, vm0, $0xb8;
	[tilespmem:$0x18400] =	vst v63  }
0x8d: {  	s13 =	simm.s32 $0x12C00  }
0x8e: {  	[tilespmem:s13], [sflag:$0x5] =	stream.indirect_vreg.gather [hbm4b:s5+s3], $0x80, v3, vm0, $0xb8;
	[tilespmem:$0x18400] =	vst v63  }
0x8f: {  	s14 =	simm.s32 $0x13400  }
0x90: {  	[tilespmem:s14], [sflag:$0x5] =	stream.indirect_vreg.gather [hbm4b:s6+s3], $0x80, v3, vm0, $0xb8;
	[tilespmem:$0x18400] =	vst v63  }
0x91: {  	s21 =	simm.s32 $0x13C00  }
0x92: {  	[tilespmem:s21], [sflag:$0x5] =	stream.indirect_vreg.gather [hbm4b:s8+s3], $0x80, v3, vm0, $0xb8;
	[tilespmem:$0x18400] =	vst v63  }
0x93: {  	_ =	swait.ge [sflag:s16], $0x4000  }
0x94: {  	[sflag:s16] =	ssyncset.done $0x0  }
0x95: {  	s0 =	rddreg [dreg:$0x6];
	[sflag:s16] =	ssyncadd.s32 $0xFFFFC000  }
0x96: {  	[hbm4b:s0+s3] =	stream.linear.scatter [tilespmem:s26], [sflag:$0x7], $0x4000, $0x38;
	[tilespmem:$0x18400] =	vst v63  }
0x97: {  	v3 =	vld [tilespmem:$0x50];
	_ =	sdelay $0x4  }
0x98: {  	v58 =	vshll.u32 v3, $0x3  }
0x99: {  	v3 =	vand.u32 $0x7, v3;
	v4 =	vand.u32 $0xFFFFFFC0, v58  }
0x9a: {  	v3 =	vor.u32 v3, v4  }
0x9b: {  	v4 =	vperm.xlane v3, v0;
	_ =	sdelay $0x1  }
0x9c: {  	v4 =	vadd.s32 v1, v4;
	_ =	sdelay $0x3  }
0x9d: {  	s7 =	simm.s32 $0x14400  }
0x9e: {  	[tilespmem:s7], [sflag:$0x6] =	stream.indirect_vreg.gather [hbm4b:s2+s3], $0x80, v4, vm0, $0xb8;
	[tilespmem:$0x18400] =	vst v63  }
0x9f: {  	s1 =	simm.s32 $0x14C00;
	v3 =	vperm.xlane v3, v2  }
0xa0: {  	[tilespmem:s1], [sflag:$0x6] =	stream.indirect_vreg.gather [hbm4b:s5+s3], $0x80, v4, vm0, $0xb8;
	[tilespmem:$0x18400] =	vst v63  }
0xa1: {  	s13 =	simm.s32 $0x15400;
	v3 =	vadd.s32 v1, v3  }
0xa2: {  	[tilespmem:s13], [sflag:$0x6] =	stream.indirect_vreg.gather [hbm4b:s6+s3], $0x80, v4, vm0, $0xb8;
	[tilespmem:$0x18400] =	vst v63  }
0xa3: {  	s14 =	simm.s32 $0x15C00  }
0xa4: {  	[tilespmem:s14], [sflag:$0x6] =	stream.indirect_vreg.gather [hbm4b:s8+s3], $0x80, v4, vm0, $0xb8;
	[tilespmem:$0x18400] =	vst v63  }
0xa5: {  	s21 =	simm.s32 $0x16400  }
0xa6: {  	[tilespmem:s21], [sflag:$0x6] =	stream.indirect_vreg.gather [hbm4b:s2+s3], $0x80, v3, vm0, $0xb8;
	[tilespmem:$0x18400] =	vst v63  }
0xa7: {  	s1 =	simm.s32 $0x16C00  }
0xa8: {  	[tilespmem:s1], [sflag:$0x6] =	stream.indirect_vreg.gather [hbm4b:s5+s3], $0x80, v3, vm0, $0xb8;
	[tilespmem:$0x18400] =	vst v63  }
0xa9: {  	s13 =	simm.s32 $0x17400  }
0xaa: {  	[tilespmem:s13], [sflag:$0x6] =	stream.indirect_vreg.gather [hbm4b:s6+s3], $0x80, v3, vm0, $0xb8;
	[tilespmem:$0x18400] =	vst v63  }
0xab: {  	s14 =	simm.s32 $0x17C00  }
0xac: {  	[tilespmem:s14], [sflag:$0x6] =	stream.indirect_vreg.gather [hbm4b:s8+s3], $0x80, v3, vm0, $0xb8;
	[tilespmem:$0x18400] =	vst v63  }
0xad: {  	_ =	swait.ge [sflag:s15], $0x4000  }
0xae: {  	[sflag:s15] =	ssyncset.done $0x0  }
0xaf: {  	s21 =	rddreg [dreg:$0x7];
	[sflag:s15] =	ssyncadd.s32 $0xFFFFC000  }
0xb0: {  	[hbm4b:s21+s3] =	stream.linear.scatter [tilespmem:s9], [sflag:$0x8], $0x4000, $0x38;
	[tilespmem:$0x18400] =	vst v63  }
0xb1: {  	_ =	swait.ge [sflag:s22], $0x4000  }
0xb2: {  	[sflag:s22] =	ssyncset.done $0x0  }
0xb3: {  	[sflag:s22] =	ssyncadd.s32 $0xFFFFC000  }
0xb4: {  	v3 =	vld [tilespmem:$0x60];
	_ =	sdelay $0x4  }
0xb5: {  	v59 =	vshll.u32 v3, $0x3  }
0xb6: {  	v3 =	vand.u32 $0x7, v3;
	v4 =	vand.u32 $0xFFFFFFC0, v59  }
0xb7: {  	v3 =	vor.u32 v3, v4  }
0xb8: {  	v4 =	vperm.xlane v3, v0;
	_ =	sdelay $0x1  }
0xb9: {  	v4 =	vadd.s32 v1, v4;
	_ =	sdelay $0x4  }
0xba: {  	[tilespmem:s26], [sflag:$0x1] =	stream.indirect_vreg.gather [hbm4b:s2+s3], $0x80, v4, vm0, $0xb8;
	[tilespmem:$0x18400] =	vst v63  }
0xbb: {  	v3 =	vperm.xlane v3, v2  }
0xbc: {  	[tilespmem:s20], [sflag:$0x1] =	stream.indirect_vreg.gather [hbm4b:s5+s3], $0x80, v4, vm0, $0xb8;
	[tilespmem:$0x18400] =	vst v63  }
0xbd: {  	v3 =	vadd.s32 v1, v3  }
0xbe: {  	[tilespmem:s30], [sflag:$0x1] =	stream.indirect_vreg.gather [hbm4b:s6+s3], $0x80, v4, vm0, $0xb8;
	[tilespmem:$0x18400] =	vst v63  }
0xbf: {  	_ = 	snop  }
0xc0: {  	[tilespmem:s31], [sflag:$0x1] =	stream.indirect_vreg.gather [hbm4b:s8+s3], $0x80, v4, vm0, $0xb8;
	[tilespmem:$0x18400] =	vst v63  }
0xc1: {  	s26 =	simm.s32 $0x2400  }
0xc2: {  	[tilespmem:s26], [sflag:$0x1] =	stream.indirect_vreg.gather [hbm4b:s2+s3], $0x80, v3, vm0, $0xb8;
	[tilespmem:$0x18400] =	vst v63  }
0xc3: {  	s31 =	simm.s32 $0x2C00  }
0xc4: {  	[tilespmem:s31], [sflag:$0x1] =	stream.indirect_vreg.gather [hbm4b:s5+s3], $0x80, v3, vm0, $0xb8;
	[tilespmem:$0x18400] =	vst v63  }
0xc5: {  	s20 =	simm.s32 $0x3400  }
0xc6: {  	[tilespmem:s20], [sflag:$0x1] =	stream.indirect_vreg.gather [hbm4b:s6+s3], $0x80, v3, vm0, $0xb8;
	[tilespmem:$0x18400] =	vst v63  }
0xc7: {  	s26 =	simm.s32 $0x3C00  }
0xc8: {  	[tilespmem:s26], [sflag:$0x1] =	stream.indirect_vreg.gather [hbm4b:s8+s3], $0x80, v3, vm0, $0xb8;
	[tilespmem:$0x18400] =	vst v63  }
0xc9: {  	_ =	swait.ge [sflag:s10], $0x4000  }
0xca: {  	[sflag:s10] =	ssyncset.done $0x0  }
0xcb: {  	s31 =	rddreg [dreg:$0x8];
	[sflag:s10] =	ssyncadd.s32 $0xFFFFC000  }
0xcc: {  	[hbm4b:s31+s3] =	stream.linear.scatter [tilespmem:s17], [sflag:$0x9], $0x4000, $0x38;
	[tilespmem:$0x18400] =	vst v63  }
0xcd: {  	_ =	swait.ge [sflag:s23], $0x4000  }
0xce: {  	[sflag:s23] =	ssyncset.done $0x0  }
0xcf: {  	[sflag:s23] =	ssyncadd.s32 $0xFFFFC000  }
0xd0: {  	v3 =	vld [tilespmem:$0x70];
	_ =	sdelay $0x4  }
0xd1: {  	v60 =	vshll.u32 v3, $0x3  }
0xd2: {  	v3 =	vand.u32 $0x7, v3;
	v4 =	vand.u32 $0xFFFFFFC0, v60  }
0xd3: {  	v3 =	vor.u32 v3, v4  }
0xd4: {  	v4 =	vperm.xlane v3, v0;
	_ =	sdelay $0x1  }
0xd5: {  	v4 =	vadd.s32 v1, v4;
	_ =	sdelay $0x4  }
0xd6: {  	[tilespmem:s9], [sflag:$0x2] =	stream.indirect_vreg.gather [hbm4b:s2+s3], $0x80, v4, vm0, $0xb8;
	[tilespmem:$0x18400] =	vst v63  }
0xd7: {  	s20 =	simm.s32 $0x4C00;
	v3 =	vperm.xlane v3, v2  }
0xd8: {  	[tilespmem:s20], [sflag:$0x2] =	stream.indirect_vreg.gather [hbm4b:s5+s3], $0x80, v4, vm0, $0xb8;
	[tilespmem:$0x18400] =	vst v63  }
0xd9: {  	s26 =	simm.s32 $0x5400;
	v3 =	vadd.s32 v1, v3  }
0xda: {  	[tilespmem:s26], [sflag:$0x2] =	stream.indirect_vreg.gather [hbm4b:s6+s3], $0x80, v4, vm0, $0xb8;
	[tilespmem:$0x18400] =	vst v63  }
0xdb: {  	s31 =	simm.s32 $0x5C00  }
0xdc: {  	[tilespmem:s31], [sflag:$0x2] =	stream.indirect_vreg.gather [hbm4b:s8+s3], $0x80, v4, vm0, $0xb8;
	[tilespmem:$0x18400] =	vst v63  }
0xdd: {  	s13 =	simm.s32 $0x6400  }
0xde: {  	[tilespmem:s13], [sflag:$0x2] =	stream.indirect_vreg.gather [hbm4b:s2+s3], $0x80, v3, vm0, $0xb8;
	[tilespmem:$0x18400] =	vst v63  }
0xdf: {  	s20 =	simm.s32 $0x6C00  }
0xe0: {  	[tilespmem:s20], [sflag:$0x2] =	stream.indirect_vreg.gather [hbm4b:s5+s3], $0x80, v3, vm0, $0xb8;
	[tilespmem:$0x18400] =	vst v63  }
0xe1: {  	s26 =	simm.s32 $0x7400  }
0xe2: {  	[tilespmem:s26], [sflag:$0x2] =	stream.indirect_vreg.gather [hbm4b:s6+s3], $0x80, v3, vm0, $0xb8;
	[tilespmem:$0x18400] =	vst v63  }
0xe3: {  	s31 =	simm.s32 $0x7C00  }
0xe4: {  	[tilespmem:s31], [sflag:$0x2] =	stream.indirect_vreg.gather [hbm4b:s8+s3], $0x80, v3, vm0, $0xb8;
	[tilespmem:$0x18400] =	vst v63  }
0xe5: {  	_ =	swait.ge [sflag:s24], $0x4000  }
0xe6: {  	[sflag:s24] =	ssyncset.done $0x0  }
0xe7: {  	s9 =	rddreg [dreg:$0x9];
	[sflag:s24] =	ssyncadd.s32 $0xFFFFC000  }
0xe8: {  	[hbm4b:s9+s3] =	stream.linear.scatter [tilespmem:s11], [sflag:$0xA], $0x4000, $0x38;
	[tilespmem:$0x18400] =	vst v63  }
0xe9: {  	_ =	swait.ge [sflag:s18], $0x4000  }
0xea: {  	[sflag:s18] =	ssyncset.done $0x0  }
0xeb: {  	[sflag:s18] =	ssyncadd.s32 $0xFFFFC000  }
0xec: {  	v3 =	vld [tilespmem:$0x80];
	_ =	sdelay $0x4  }
0xed: {  	v61 =	vshll.u32 v3, $0x3  }
0xee: {  	v3 =	vand.u32 $0x7, v3;
	v4 =	vand.u32 $0xFFFFFFC0, v61  }
0xef: {  	v3 =	vor.u32 v3, v4  }
0xf0: {  	v4 =	vperm.xlane v3, v0;
	_ =	sdelay $0x1  }
0xf1: {  	v4 =	vadd.s32 v1, v4;
	_ =	sdelay $0x4  }
0xf2: {  	[tilespmem:s17], [sflag:$0x3] =	stream.indirect_vreg.gather [hbm4b:s2+s3], $0x80, v4, vm0, $0xb8;
	[tilespmem:$0x18400] =	vst v63  }
0xf3: {  	v3 =	vperm.xlane v3, v2;
	s17 =	simm.s32 $0x8C00  }
0xf4: {  	[tilespmem:s17], [sflag:$0x3] =	stream.indirect_vreg.gather [hbm4b:s5+s3], $0x80, v4, vm0, $0xb8;
	[tilespmem:$0x18400] =	vst v63  }
0xf5: {  	s20 =	simm.s32 $0x9400;
	v3 =	vadd.s32 v1, v3  }
0xf6: {  	[tilespmem:s20], [sflag:$0x3] =	stream.indirect_vreg.gather [hbm4b:s6+s3], $0x80, v4, vm0, $0xb8;
	[tilespmem:$0x18400] =	vst v63  }
0xf7: {  	s26 =	simm.s32 $0x9C00  }
0xf8: {  	[tilespmem:s26], [sflag:$0x3] =	stream.indirect_vreg.gather [hbm4b:s8+s3], $0x80, v4, vm0, $0xb8;
	[tilespmem:$0x18400] =	vst v63  }
0xf9: {  	s31 =	simm.s32 $0xA400  }
0xfa: {  	[tilespmem:s31], [sflag:$0x3] =	stream.indirect_vreg.gather [hbm4b:s2+s3], $0x80, v3, vm0, $0xb8;
	[tilespmem:$0x18400] =	vst v63  }
0xfb: {  	s13 =	simm.s32 $0xAC00  }
0xfc: {  	[tilespmem:s13], [sflag:$0x3] =	stream.indirect_vreg.gather [hbm4b:s5+s3], $0x80, v3, vm0, $0xb8;
	[tilespmem:$0x18400] =	vst v63  }
0xfd: {  	s17 =	simm.s32 $0xB400  }
0xfe: {  	[tilespmem:s17], [sflag:$0x3] =	stream.indirect_vreg.gather [hbm4b:s6+s3], $0x80, v3, vm0, $0xb8;
	[tilespmem:$0x18400] =	vst v63  }
0xff: {  	s20 =	simm.s32 $0xBC00  }
0x100: {  	[tilespmem:s20], [sflag:$0x3] =	stream.indirect_vreg.gather [hbm4b:s8+s3], $0x80, v3, vm0, $0xb8;
	[tilespmem:$0x18400] =	vst v63  }
0x101: {  	_ =	swait.ge [sflag:s25], $0x4000  }
0x102: {  	[sflag:s25] =	ssyncset.done $0x0  }
0x103: {  	s26 =	rddreg [dreg:$0xa];
	[sflag:s25] =	ssyncadd.s32 $0xFFFFC000  }
0x104: {  	[hbm4b:s26+s3] =	stream.linear.scatter [tilespmem:s4], [sflag:$0xB], $0x4000, $0x38;
	[tilespmem:$0x18400] =	vst v63  }
0x105: {  	_ =	swait.ge [sflag:s12], $0x4000  }
0x106: {  	[sflag:s12] =	ssyncset.done $0x0  }
0x107: {  	[sflag:s12] =	ssyncadd.s32 $0xFFFFC000  }
0x108: {  	v3 =	vld [tilespmem:$0x90];
	_ =	sdelay $0x4  }
0x109: {  	v62 =	vshll.u32 v3, $0x3  }
0x10a: {  	v3 =	vand.u32 $0x7, v3;
	v4 =	vand.u32 $0xFFFFFFC0, v62  }
0x10b: {  	v3 =	vor.u32 v3, v4  }
0x10c: {  	v4 =	vperm.xlane v3, v0;
	_ =	sdelay $0x1  }
0x10d: {  	v4 =	vadd.s32 v1, v4;
	_ =	sdelay $0x4  }
0x10e: {  	[tilespmem:s11], [sflag:$0x4] =	stream.indirect_vreg.gather [hbm4b:s2+s3], $0x80, v4, vm0, $0xb8;
	[tilespmem:$0x18400] =	vst v63  }
0x10f: {  	s31 =	simm.s32 $0xCC00;
	v3 =	vperm.xlane v3, v2  }
0x110: {  	[tilespmem:s31], [sflag:$0x4] =	stream.indirect_vreg.gather [hbm4b:s5+s3], $0x80, v4, vm0, $0xb8;
	[tilespmem:$0x18400] =	vst v63  }
0x111: {  	v3 =	vadd.s32 v1, v3;
	s11 =	simm.s32 $0xD400  }
0x112: {  	[tilespmem:s11], [sflag:$0x4] =	stream.indirect_vreg.gather [hbm4b:s6+s3], $0x80, v4, vm0, $0xb8;
	[tilespmem:$0x18400] =	vst v63  }
0x113: {  	s13 =	simm.s32 $0xDC00  }
0x114: {  	[tilespmem:s13], [sflag:$0x4] =	stream.indirect_vreg.gather [hbm4b:s8+s3], $0x80, v4, vm0, $0xb8;
	[tilespmem:$0x18400] =	vst v63  }
0x115: {  	s17 =	simm.s32 $0xE400  }
0x116: {  	[tilespmem:s17], [sflag:$0x4] =	stream.indirect_vreg.gather [hbm4b:s2+s3], $0x80, v3, vm0, $0xb8;
	[tilespmem:$0x18400] =	vst v63  }
0x117: {  	s20 =	simm.s32 $0xEC00  }
0x118: {  	[tilespmem:s20], [sflag:$0x4] =	stream.indirect_vreg.gather [hbm4b:s5+s3], $0x80, v3, vm0, $0xb8;
	[tilespmem:$0x18400] =	vst v63  }
0x119: {  	s26 =	simm.s32 $0xF400  }
0x11a: {  	[tilespmem:s26], [sflag:$0x4] =	stream.indirect_vreg.gather [hbm4b:s6+s3], $0x80, v3, vm0, $0xb8;
	[tilespmem:$0x18400] =	vst v63  }
0x11b: {  	s31 =	simm.s32 $0xFC00  }
0x11c: {  	[tilespmem:s31], [sflag:$0x4] =	stream.indirect_vreg.gather [hbm4b:s8+s3], $0x80, v3, vm0, $0xb8;
	[tilespmem:$0x18400] =	vst v63  }
0x11d: {  	_ =	swait.ge [sflag:s28], $0x4000  }
0x11e: {  	[sflag:s28] =	ssyncset.done $0x0  }
0x11f: {  	s11 =	rddreg [dreg:$0xb];
	[sflag:s28] =	ssyncadd.s32 $0xFFFFC000  }
0x120: {  	[hbm4b:s11+s3] =	stream.linear.scatter [tilespmem:s7], [sflag:$0xC], $0x4000, $0x38;
	[tilespmem:$0x18400] =	vst v63  }
0x121: {  	_ =	swait.ge [sflag:s19], $0x4000  }
0x122: {  	[sflag:s19] =	ssyncset.done $0x0  }
0x123: {  	[sflag:s19] =	ssyncadd.s32 $0xFFFFC000  }
0x124: {  	v3 =	vld [tilespmem:$0xA0];
	_ =	sdelay $0x4  }
0x125: {  	v63 =	vshll.u32 v3, $0x3  }
0x126: {  	v3 =	vand.u32 $0x7, v3;
	v4 =	vand.u32 $0xFFFFFFC0, v63  }
0x127: {  	v3 =	vor.u32 v3, v4  }
0x128: {  	v4 =	vperm.xlane v3, v0;
	_ =	sdelay $0x1  }
0x129: {  	v4 =	vadd.s32 v1, v4;
	_ =	sdelay $0x4  }
0x12a: {  	[tilespmem:s4], [sflag:$0x5] =	stream.indirect_vreg.gather [hbm4b:s2+s3], $0x80, v4, vm0, $0xb8;
	[tilespmem:$0x18400] =	vst v63  }
0x12b: {  	s0 =	simm.s32 $0x10C00;
	v3 =	vperm.xlane v3, v2  }
0x12c: {  	[tilespmem:s0], [sflag:$0x5] =	stream.indirect_vreg.gather [hbm4b:s5+s3], $0x80, v4, vm0, $0xb8;
	[tilespmem:$0x18400] =	vst v63  }
0x12d: {  	s1 =	simm.s32 $0x11400;
	v3 =	vadd.s32 v1, v3  }
0x12e: {  	[tilespmem:s1], [sflag:$0x5] =	stream.indirect_vreg.gather [hbm4b:s6+s3], $0x80, v4, vm0, $0xb8;
	[tilespmem:$0x18400] =	vst v63  }
0x12f: {  	s14 =	simm.s32 $0x11C00  }
0x130: {  	[tilespmem:s14], [sflag:$0x5] =	stream.indirect_vreg.gather [hbm4b:s8+s3], $0x80, v4, vm0, $0xb8;
	[tilespmem:$0x18400] =	vst v63  }
0x131: {  	s21 =	simm.s32 $0x12400  }
0x132: {  	[tilespmem:s21], [sflag:$0x5] =	stream.indirect_vreg.gather [hbm4b:s2+s3], $0x80, v3, vm0, $0xb8;
	[tilespmem:$0x18400] =	vst v63  }
0x133: {  	s30 =	simm.s32 $0x0;
	s17 =	simm.s32 $0x12C00  }
0x134: {  	[tilespmem:s17], [sflag:$0x5] =	stream.indirect_vreg.gather [hbm4b:s5+s3], $0x80, v3, vm0, $0xb8;
	[tilespmem:$0x18400] =	vst v63  }
0x135: {  	s13 =	simm.s32 $0x100;
	s20 =	simm.s32 $0x13400;
	s26 =	simm.s32 $0x12C00  }
0x136: {  	[tilespmem:s20], [sflag:$0x5] =	stream.indirect_vreg.gather [hbm4b:s6+s3], $0x80, v3, vm0, $0xb8;
	[tilespmem:$0x18400] =	vst v63  }
0x137: {  	s31 =	simm.s32 $0x13C00;
	s11 =	simm.s32 $0x13C00;
	s17 =	simm.s32 $0x13400  }
0x138: {  	[tilespmem:s31], [sflag:$0x5] =	stream.indirect_vreg.gather [hbm4b:s8+s3], $0x80, v3, vm0, $0xb8;
	[tilespmem:$0x18400] =	vst v63  }
.LBB2_2:
0x139: {  	_ =	swait.ge [sflag:s16], $0x4000  }
0x13a: {  	s20 =	rddreg [dreg:$0x4]  }
0x13b: {  	[sflag:s16] =	ssyncset.done $0x0;
	s20 =	sadd.s32 s30, s20  }
0x13c: {  	s9 =	simm.s32 $0x400;
	[sflag:s16] =	ssyncadd.s32 $0xFFFFC000;
	s31 =	sadd.s32 $0x3000, s20  }
0x13d: {  	[hbm4b:s31+s3] =	stream.linear.scatter [tilespmem:s9], [sflag:$0x7], $0x4000, $0x38;
	[tilespmem:$0x18400] =	vst v63  }
0x13e: {  	_ =	swait.ge [sflag:s29], $0x4000  }
0x13f: {  	[sflag:s29] =	ssyncset.done $0x0  }
0x140: {  	[sflag:s29] =	ssyncadd.s32 $0xFFFFC000  }
0x141: {  	v3 =	vld [tilespmem:s13+$0xFFFFFFB0];
	_ =	sdelay $0x4  }
0x142: {  	v4 =	vshll.u32 v3, $0x3  }
0x143: {  	v3 =	vand.u32 $0x7, v3;
	v4 =	vand.u32 $0xFFFFFFC0, v4  }
0x144: {  	v3 =	vor.u32 v3, v4  }
0x145: {  	v4 =	vperm.xlane v3, v0;
	_ =	sdelay $0x1  }
0x146: {  	v4 =	vadd.s32 v1, v4;
	_ =	sdelay $0x3  }
0x147: {  	s7 =	simm.s32 $0x14400  }
0x148: {  	[tilespmem:s7], [sflag:$0x6] =	stream.indirect_vreg.gather [hbm4b:s2+s3], $0x80, v4, vm0, $0xb8;
	[tilespmem:$0x18400] =	vst v63  }
0x149: {  	s4 =	simm.s32 $0x14C00;
	v3 =	vperm.xlane v3, v2  }
0x14a: {  	[tilespmem:s4], [sflag:$0x6] =	stream.indirect_vreg.gather [hbm4b:s5+s3], $0x80, v4, vm0, $0xb8;
	[tilespmem:$0x18400] =	vst v63  }
0x14b: {  	v3 =	vadd.s32 v1, v3;
	s4 =	simm.s32 $0x15400  }
0x14c: {  	[tilespmem:s4], [sflag:$0x6] =	stream.indirect_vreg.gather [hbm4b:s6+s3], $0x80, v4, vm0, $0xb8;
	[tilespmem:$0x18400] =	vst v63  }
0x14d: {  	s4 =	simm.s32 $0x15C00  }
0x14e: {  	[tilespmem:s4], [sflag:$0x6] =	stream.indirect_vreg.gather [hbm4b:s8+s3], $0x80, v4, vm0, $0xb8;
	[tilespmem:$0x18400] =	vst v63  }
0x14f: {  	s4 =	simm.s32 $0x16400  }
0x150: {  	[tilespmem:s4], [sflag:$0x6] =	stream.indirect_vreg.gather [hbm4b:s2+s3], $0x80, v3, vm0, $0xb8;
	[tilespmem:$0x18400] =	vst v63  }
0x151: {  	s4 =	simm.s32 $0x16C00  }
0x152: {  	[tilespmem:s4], [sflag:$0x6] =	stream.indirect_vreg.gather [hbm4b:s5+s3], $0x80, v3, vm0, $0xb8;
	[tilespmem:$0x18400] =	vst v63  }
0x153: {  	s4 =	simm.s32 $0x17400  }
0x154: {  	[tilespmem:s4], [sflag:$0x6] =	stream.indirect_vreg.gather [hbm4b:s6+s3], $0x80, v3, vm0, $0xb8;
	[tilespmem:$0x18400] =	vst v63  }
0x155: {  	s4 =	simm.s32 $0x17C00  }
0x156: {  	[tilespmem:s4], [sflag:$0x6] =	stream.indirect_vreg.gather [hbm4b:s8+s3], $0x80, v3, vm0, $0xb8;
	[tilespmem:$0x18400] =	vst v63  }
0x157: {  	_ =	swait.ge [sflag:s15], $0x4000  }
0x158: {  	[sflag:s15] =	ssyncset.done $0x0  }
0x159: {  	s31 =	sadd.s32 $0x3800, s20;
	s4 =	simm.s32 $0x4400;
	[sflag:s15] =	ssyncadd.s32 $0xFFFFC000  }
0x15a: {  	[hbm4b:s31+s3] =	stream.linear.scatter [tilespmem:s4], [sflag:$0x8], $0x4000, $0x38;
	[tilespmem:$0x18400] =	vst v63  }
0x15b: {  	_ =	swait.ge [sflag:s22], $0x4000  }
0x15c: {  	[sflag:s22] =	ssyncset.done $0x0  }
0x15d: {  	[sflag:s22] =	ssyncadd.s32 $0xFFFFC000  }
0x15e: {  	v3 =	vld [tilespmem:s13+$0xFFFFFFC0];
	_ =	sdelay $0x4  }
0x15f: {  	v59 =	vshll.u32 v3, $0x3  }
0x160: {  	v3 =	vand.u32 $0x7, v3;
	v4 =	vand.u32 $0xFFFFFFC0, v59  }
0x161: {  	v3 =	vor.u32 v3, v4  }
0x162: {  	v4 =	vperm.xlane v3, v0;
	_ =	sdelay $0x1  }
0x163: {  	v4 =	vadd.s32 v1, v4;
	_ =	sdelay $0x4  }
0x164: {  	[tilespmem:s9], [sflag:$0x1] =	stream.indirect_vreg.gather [hbm4b:s2+s3], $0x80, v4, vm0, $0xb8;
	[tilespmem:$0x18400] =	vst v63  }
0x165: {  	v3 =	vperm.xlane v3, v2;
	s9 =	simm.s32 $0xC00  }
0x166: {  	[tilespmem:s9], [sflag:$0x1] =	stream.indirect_vreg.gather [hbm4b:s5+s3], $0x80, v4, vm0, $0xb8;
	[tilespmem:$0x18400] =	vst v63  }
0x167: {  	v3 =	vadd.s32 v1, v3;
	s9 =	simm.s32 $0x1400  }
0x168: {  	[tilespmem:s9], [sflag:$0x1] =	stream.indirect_vreg.gather [hbm4b:s6+s3], $0x80, v4, vm0, $0xb8;
	[tilespmem:$0x18400] =	vst v63  }
0x169: {  	s9 =	simm.s32 $0x1C00  }
0x16a: {  	[tilespmem:s9], [sflag:$0x1] =	stream.indirect_vreg.gather [hbm4b:s8+s3], $0x80, v4, vm0, $0xb8;
	[tilespmem:$0x18400] =	vst v63  }
0x16b: {  	s9 =	simm.s32 $0x2400  }
0x16c: {  	[tilespmem:s9], [sflag:$0x1] =	stream.indirect_vreg.gather [hbm4b:s2+s3], $0x80, v3, vm0, $0xb8;
	[tilespmem:$0x18400] =	vst v63  }
0x16d: {  	s9 =	simm.s32 $0x2C00  }
0x16e: {  	[tilespmem:s9], [sflag:$0x1] =	stream.indirect_vreg.gather [hbm4b:s5+s3], $0x80, v3, vm0, $0xb8;
	[tilespmem:$0x18400] =	vst v63  }
0x16f: {  	s9 =	simm.s32 $0x3400  }
0x170: {  	[tilespmem:s9], [sflag:$0x1] =	stream.indirect_vreg.gather [hbm4b:s6+s3], $0x80, v3, vm0, $0xb8;
	[tilespmem:$0x18400] =	vst v63  }
0x171: {  	s9 =	simm.s32 $0x3C00  }
0x172: {  	[tilespmem:s9], [sflag:$0x1] =	stream.indirect_vreg.gather [hbm4b:s8+s3], $0x80, v3, vm0, $0xb8;
	[tilespmem:$0x18400] =	vst v63  }
0x173: {  	_ =	swait.ge [sflag:s10], $0x4000  }
0x174: {  	[sflag:s10] =	ssyncset.done $0x0  }
0x175: {  	s31 =	sadd.s32 $0x4000, s20;
	s9 =	simm.s32 $0x8400;
	[sflag:s10] =	ssyncadd.s32 $0xFFFFC000  }
0x176: {  	[hbm4b:s31+s3] =	stream.linear.scatter [tilespmem:s9], [sflag:$0x9], $0x4000, $0x38;
	[tilespmem:$0x18400] =	vst v63  }
0x177: {  	_ =	swait.ge [sflag:s23], $0x4000  }
0x178: {  	[sflag:s23] =	ssyncset.done $0x0  }
0x179: {  	[sflag:s23] =	ssyncadd.s32 $0xFFFFC000  }
0x17a: {  	v3 =	vld [tilespmem:s13+$0xFFFFFFD0];
	_ =	sdelay $0x4  }
0x17b: {  	v60 =	vshll.u32 v3, $0x3  }
0x17c: {  	v3 =	vand.u32 $0x7, v3;
	v4 =	vand.u32 $0xFFFFFFC0, v60  }
0x17d: {  	v3 =	vor.u32 v3, v4  }
0x17e: {  	v4 =	vperm.xlane v3, v0;
	_ =	sdelay $0x1  }
0x17f: {  	v4 =	vadd.s32 v1, v4;
	_ =	sdelay $0x4  }
0x180: {  	[tilespmem:s4], [sflag:$0x2] =	stream.indirect_vreg.gather [hbm4b:s2+s3], $0x80, v4, vm0, $0xb8;
	[tilespmem:$0x18400] =	vst v63  }
0x181: {  	v3 =	vperm.xlane v3, v2;
	s4 =	simm.s32 $0x4C00  }
0x182: {  	[tilespmem:s4], [sflag:$0x2] =	stream.indirect_vreg.gather [hbm4b:s5+s3], $0x80, v4, vm0, $0xb8;
	[tilespmem:$0x18400] =	vst v63  }
0x183: {  	v3 =	vadd.s32 v1, v3;
	s4 =	simm.s32 $0x5400  }
0x184: {  	[tilespmem:s4], [sflag:$0x2] =	stream.indirect_vreg.gather [hbm4b:s6+s3], $0x80, v4, vm0, $0xb8;
	[tilespmem:$0x18400] =	vst v63  }
0x185: {  	s4 =	simm.s32 $0x5C00  }
0x186: {  	[tilespmem:s4], [sflag:$0x2] =	stream.indirect_vreg.gather [hbm4b:s8+s3], $0x80, v4, vm0, $0xb8;
	[tilespmem:$0x18400] =	vst v63  }
0x187: {  	s4 =	simm.s32 $0x6400  }
0x188: {  	[tilespmem:s4], [sflag:$0x2] =	stream.indirect_vreg.gather [hbm4b:s2+s3], $0x80, v3, vm0, $0xb8;
	[tilespmem:$0x18400] =	vst v63  }
0x189: {  	s4 =	simm.s32 $0x6C00  }
0x18a: {  	[tilespmem:s4], [sflag:$0x2] =	stream.indirect_vreg.gather [hbm4b:s5+s3], $0x80, v3, vm0, $0xb8;
	[tilespmem:$0x18400] =	vst v63  }
0x18b: {  	s4 =	simm.s32 $0x7400  }
0x18c: {  	[tilespmem:s4], [sflag:$0x2] =	stream.indirect_vreg.gather [hbm4b:s6+s3], $0x80, v3, vm0, $0xb8;
	[tilespmem:$0x18400] =	vst v63  }
0x18d: {  	s4 =	simm.s32 $0x7C00  }
0x18e: {  	[tilespmem:s4], [sflag:$0x2] =	stream.indirect_vreg.gather [hbm4b:s8+s3], $0x80, v3, vm0, $0xb8;
	[tilespmem:$0x18400] =	vst v63  }
0x18f: {  	_ =	swait.ge [sflag:s24], $0x4000  }
0x190: {  	[sflag:s24] =	ssyncset.done $0x0  }
0x191: {  	s31 =	sadd.s32 $0x4800, s20;
	s4 =	simm.s32 $0xC400;
	[sflag:s24] =	ssyncadd.s32 $0xFFFFC000  }
0x192: {  	[hbm4b:s31+s3] =	stream.linear.scatter [tilespmem:s4], [sflag:$0xA], $0x4000, $0x38;
	[tilespmem:$0x18400] =	vst v63  }
0x193: {  	_ =	swait.ge [sflag:s18], $0x4000  }
0x194: {  	[sflag:s18] =	ssyncset.done $0x0  }
0x195: {  	[sflag:s18] =	ssyncadd.s32 $0xFFFFC000  }
0x196: {  	v3 =	vld [tilespmem:s13+$0xFFFFFFE0];
	_ =	sdelay $0x4  }
0x197: {  	v61 =	vshll.u32 v3, $0x3  }
0x198: {  	v3 =	vand.u32 $0x7, v3;
	v4 =	vand.u32 $0xFFFFFFC0, v61  }
0x199: {  	v3 =	vor.u32 v3, v4  }
0x19a: {  	v4 =	vperm.xlane v3, v0;
	_ =	sdelay $0x1  }
0x19b: {  	v4 =	vadd.s32 v1, v4;
	_ =	sdelay $0x4  }
0x19c: {  	[tilespmem:s9], [sflag:$0x3] =	stream.indirect_vreg.gather [hbm4b:s2+s3], $0x80, v4, vm0, $0xb8;
	[tilespmem:$0x18400] =	vst v63  }
0x19d: {  	v3 =	vperm.xlane v3, v2;
	s9 =	simm.s32 $0x8C00  }
0x19e: {  	[tilespmem:s9], [sflag:$0x3] =	stream.indirect_vreg.gather [hbm4b:s5+s3], $0x80, v4, vm0, $0xb8;
	[tilespmem:$0x18400] =	vst v63  }
0x19f: {  	v3 =	vadd.s32 v1, v3;
	s9 =	simm.s32 $0x9400  }
0x1a0: {  	[tilespmem:s9], [sflag:$0x3] =	stream.indirect_vreg.gather [hbm4b:s6+s3], $0x80, v4, vm0, $0xb8;
	[tilespmem:$0x18400] =	vst v63  }
0x1a1: {  	s9 =	simm.s32 $0x9C00  }
0x1a2: {  	[tilespmem:s9], [sflag:$0x3] =	stream.indirect_vreg.gather [hbm4b:s8+s3], $0x80, v4, vm0, $0xb8;
	[tilespmem:$0x18400] =	vst v63  }
0x1a3: {  	s9 =	simm.s32 $0xA400  }
0x1a4: {  	[tilespmem:s9], [sflag:$0x3] =	stream.indirect_vreg.gather [hbm4b:s2+s3], $0x80, v3, vm0, $0xb8;
	[tilespmem:$0x18400] =	vst v63  }
0x1a5: {  	s9 =	simm.s32 $0xAC00  }
0x1a6: {  	[tilespmem:s9], [sflag:$0x3] =	stream.indirect_vreg.gather [hbm4b:s5+s3], $0x80, v3, vm0, $0xb8;
	[tilespmem:$0x18400] =	vst v63  }
0x1a7: {  	s9 =	simm.s32 $0xB400  }
0x1a8: {  	[tilespmem:s9], [sflag:$0x3] =	stream.indirect_vreg.gather [hbm4b:s6+s3], $0x80, v3, vm0, $0xb8;
	[tilespmem:$0x18400] =	vst v63  }
0x1a9: {  	s9 =	simm.s32 $0xBC00  }
0x1aa: {  	[tilespmem:s9], [sflag:$0x3] =	stream.indirect_vreg.gather [hbm4b:s8+s3], $0x80, v3, vm0, $0xb8;
	[tilespmem:$0x18400] =	vst v63  }
0x1ab: {  	_ =	swait.ge [sflag:s25], $0x4000  }
0x1ac: {  	[sflag:s25] =	ssyncset.done $0x0  }
0x1ad: {  	s31 =	sadd.s32 $0x5000, s20;
	s9 =	simm.s32 $0x10400;
	[sflag:s25] =	ssyncadd.s32 $0xFFFFC000  }
0x1ae: {  	[hbm4b:s31+s3] =	stream.linear.scatter [tilespmem:s9], [sflag:$0xB], $0x4000, $0x38;
	[tilespmem:$0x18400] =	vst v63  }
0x1af: {  	_ =	swait.ge [sflag:s12], $0x4000  }
0x1b0: {  	[sflag:s12] =	ssyncset.done $0x0  }
0x1b1: {  	[sflag:s12] =	ssyncadd.s32 $0xFFFFC000  }
0x1b2: {  	v3 =	vld [tilespmem:s13+$0xFFFFFFF0];
	_ =	sdelay $0x4  }
0x1b3: {  	v62 =	vshll.u32 v3, $0x3  }
0x1b4: {  	v3 =	vand.u32 $0x7, v3;
	v4 =	vand.u32 $0xFFFFFFC0, v62  }
0x1b5: {  	v3 =	vor.u32 v3, v4  }
0x1b6: {  	v4 =	vperm.xlane v3, v0;
	_ =	sdelay $0x1  }
0x1b7: {  	v4 =	vadd.s32 v1, v4;
	_ =	sdelay $0x4  }
0x1b8: {  	[tilespmem:s4], [sflag:$0x4] =	stream.indirect_vreg.gather [hbm4b:s2+s3], $0x80, v4, vm0, $0xb8;
	[tilespmem:$0x18400] =	vst v63  }
0x1b9: {  	v3 =	vperm.xlane v3, v2;
	s4 =	simm.s32 $0xCC00  }
0x1ba: {  	[tilespmem:s4], [sflag:$0x4] =	stream.indirect_vreg.gather [hbm4b:s5+s3], $0x80, v4, vm0, $0xb8;
	[tilespmem:$0x18400] =	vst v63  }
0x1bb: {  	v3 =	vadd.s32 v1, v3;
	s4 =	simm.s32 $0xD400  }
0x1bc: {  	[tilespmem:s4], [sflag:$0x4] =	stream.indirect_vreg.gather [hbm4b:s6+s3], $0x80, v4, vm0, $0xb8;
	[tilespmem:$0x18400] =	vst v63  }
0x1bd: {  	s4 =	simm.s32 $0xDC00  }
0x1be: {  	[tilespmem:s4], [sflag:$0x4] =	stream.indirect_vreg.gather [hbm4b:s8+s3], $0x80, v4, vm0, $0xb8;
	[tilespmem:$0x18400] =	vst v63  }
0x1bf: {  	s4 =	simm.s32 $0xE400  }
0x1c0: {  	[tilespmem:s4], [sflag:$0x4] =	stream.indirect_vreg.gather [hbm4b:s2+s3], $0x80, v3, vm0, $0xb8;
	[tilespmem:$0x18400] =	vst v63  }
0x1c1: {  	s4 =	simm.s32 $0xEC00  }
0x1c2: {  	[tilespmem:s4], [sflag:$0x4] =	stream.indirect_vreg.gather [hbm4b:s5+s3], $0x80, v3, vm0, $0xb8;
	[tilespmem:$0x18400] =	vst v63  }
0x1c3: {  	s4 =	simm.s32 $0xF400  }
0x1c4: {  	[tilespmem:s4], [sflag:$0x4] =	stream.indirect_vreg.gather [hbm4b:s6+s3], $0x80, v3, vm0, $0xb8;
	[tilespmem:$0x18400] =	vst v63  }
0x1c5: {  	s4 =	simm.s32 $0xFC00  }
0x1c6: {  	[tilespmem:s4], [sflag:$0x4] =	stream.indirect_vreg.gather [hbm4b:s8+s3], $0x80, v3, vm0, $0xb8;
	[tilespmem:$0x18400] =	vst v63  }
0x1c7: {  	_ =	swait.ge [sflag:s28], $0x4000  }
0x1c8: {  	[sflag:s28] =	ssyncset.done $0x0  }
0x1c9: {  	s20 =	sadd.s32 $0x5800, s20;
	[sflag:s28] =	ssyncadd.s32 $0xFFFFC000  }
0x1ca: {  	[hbm4b:s20+s3] =	stream.linear.scatter [tilespmem:s7], [sflag:$0xC], $0x4000, $0x38;
	[tilespmem:$0x18400] =	vst v63  }
0x1cb: {  	_ =	swait.ge [sflag:s19], $0x4000  }
0x1cc: {  	[sflag:s19] =	ssyncset.done $0x0  }
0x1cd: {  	[sflag:s19] =	ssyncadd.s32 $0xFFFFC000  }
0x1ce: {  	v3 =	vld [tilespmem:s13+$0x0];
	_ =	sdelay $0x4  }
0x1cf: {  	v63 =	vshll.u32 v3, $0x3  }
0x1d0: {  	v3 =	vand.u32 $0x7, v3;
	v4 =	vand.u32 $0xFFFFFFC0, v63  }
0x1d1: {  	v3 =	vor.u32 v3, v4  }
0x1d2: {  	v4 =	vperm.xlane v3, v0;
	_ =	sdelay $0x1  }
0x1d3: {  	v4 =	vadd.s32 v1, v4;
	_ =	sdelay $0x4  }
0x1d4: {  	[tilespmem:s9], [sflag:$0x5] =	stream.indirect_vreg.gather [hbm4b:s2+s3], $0x80, v4, vm0, $0xb8;
	[tilespmem:$0x18400] =	vst v63  }
0x1d5: {  	v3 =	vperm.xlane v3, v2  }
0x1d6: {  	[tilespmem:s0], [sflag:$0x5] =	stream.indirect_vreg.gather [hbm4b:s5+s3], $0x80, v4, vm0, $0xb8;
	[tilespmem:$0x18400] =	vst v63  }
0x1d7: {  	v3 =	vadd.s32 v1, v3  }
0x1d8: {  	[tilespmem:s1], [sflag:$0x5] =	stream.indirect_vreg.gather [hbm4b:s6+s3], $0x80, v4, vm0, $0xb8;
	[tilespmem:$0x18400] =	vst v63  }
0x1d9: {  	_ = 	snop  }
0x1da: {  	[tilespmem:s14], [sflag:$0x5] =	stream.indirect_vreg.gather [hbm4b:s8+s3], $0x80, v4, vm0, $0xb8;
	[tilespmem:$0x18400] =	vst v63  }
0x1db: {  	_ = 	snop  }
0x1dc: {  	[tilespmem:s21], [sflag:$0x5] =	stream.indirect_vreg.gather [hbm4b:s2+s3], $0x80, v3, vm0, $0xb8;
	[tilespmem:$0x18400] =	vst v63  }
0x1dd: {  	p0 =	sne.s32 s30, $0x15000  }
0x1de: {  	[tilespmem:s26], [sflag:$0x5] =	stream.indirect_vreg.gather [hbm4b:s5+s3], $0x80, v3, vm0, $0xb8;
	[tilespmem:$0x18400] =	vst v63  }
.Ltmp0:
0x1df: {  	_ = 	snop;
	(pc) =	sbr.rel @p0 .LBB2_2-.Ltmp0, $4  }
0x1e0: {  	_ = 	snop  }
0x1e1: {  	[tilespmem:s17], [sflag:$0x5] =	stream.indirect_vreg.gather [hbm4b:s6+s3], $0x80, v3, vm0, $0xb8;
	[tilespmem:$0x18400] =	vst v63  }
0x1e2: {  	s30 =	sadd.s32 $0x3000, s30;
	s4 =	simm.s32 $0x10400;
	s13 =	sadd.s32 $0x60, s13  }
0x1e3: {  	[tilespmem:s11], [sflag:$0x5] =	stream.indirect_vreg.gather [hbm4b:s8+s3], $0x80, v3, vm0, $0xb8;
	[tilespmem:$0x18400] =	vst v63  }
0x1e4: {  	_ =	swait.ge [sflag:s16], $0x4000  }
0x1e5: {  	[sflag:s16] =	ssyncset.done $0x0  }
0x1e6: {  	s1 =	simm.s32 $0x400;
	s13 =	rddreg [dreg:$0xc];
	[sflag:s16] =	ssyncadd.s32 $0xFFFFC000  }
0x1e7: {  	[hbm4b:s13+s3] =	stream.linear.scatter [tilespmem:s1], [sflag:$0x7], $0x4000, $0x38;
	[tilespmem:$0x18400] =	vst v63  }
0x1e8: {  	_ =	swait.ge [sflag:s29], $0x4000  }
0x1e9: {  	[sflag:s29] =	ssyncset.done $0x0  }
0x1ea: {  	[sflag:s29] =	ssyncadd.s32 $0xFFFFC000  }
0x1eb: {  	v3 =	vld [tilespmem:$0x3B0];
	_ =	sdelay $0x4  }
0x1ec: {  	v4 =	vshll.u32 v3, $0x3  }
0x1ed: {  	v3 =	vand.u32 $0x7, v3;
	v4 =	vand.u32 $0xFFFFFFC0, v4  }
0x1ee: {  	v3 =	vor.u32 v3, v4  }
0x1ef: {  	v4 =	vperm.xlane v3, v0;
	_ =	sdelay $0x1  }
0x1f0: {  	v4 =	vadd.s32 v1, v4;
	_ =	sdelay $0x3  }
0x1f1: {  	s7 =	simm.s32 $0x14400  }
0x1f2: {  	[tilespmem:s7], [sflag:$0x6] =	stream.indirect_vreg.gather [hbm4b:s2+s3], $0x80, v4, vm0, $0xb8;
	[tilespmem:$0x18400] =	vst v63  }
0x1f3: {  	s0 =	simm.s32 $0x14C00;
	v3 =	vperm.xlane v3, v2  }
0x1f4: {  	[tilespmem:s0], [sflag:$0x6] =	stream.indirect_vreg.gather [hbm4b:s5+s3], $0x80, v4, vm0, $0xb8;
	[tilespmem:$0x18400] =	vst v63  }
0x1f5: {  	s20 =	simm.s32 $0x15400;
	v3 =	vadd.s32 v1, v3  }
0x1f6: {  	[tilespmem:s20], [sflag:$0x6] =	stream.indirect_vreg.gather [hbm4b:s6+s3], $0x80, v4, vm0, $0xb8;
	[tilespmem:$0x18400] =	vst v63  }
0x1f7: {  	s21 =	simm.s32 $0x15C00  }
0x1f8: {  	[tilespmem:s21], [sflag:$0x6] =	stream.indirect_vreg.gather [hbm4b:s8+s3], $0x80, v4, vm0, $0xb8;
	[tilespmem:$0x18400] =	vst v63  }
0x1f9: {  	s26 =	simm.s32 $0x16400  }
0x1fa: {  	[tilespmem:s26], [sflag:$0x6] =	stream.indirect_vreg.gather [hbm4b:s2+s3], $0x80, v3, vm0, $0xb8;
	[tilespmem:$0x18400] =	vst v63  }
0x1fb: {  	s30 =	simm.s32 $0x16C00  }
0x1fc: {  	[tilespmem:s30], [sflag:$0x6] =	stream.indirect_vreg.gather [hbm4b:s5+s3], $0x80, v3, vm0, $0xb8;
	[tilespmem:$0x18400] =	vst v63  }
0x1fd: {  	s31 =	simm.s32 $0x17400  }
0x1fe: {  	[tilespmem:s31], [sflag:$0x6] =	stream.indirect_vreg.gather [hbm4b:s6+s3], $0x80, v3, vm0, $0xb8;
	[tilespmem:$0x18400] =	vst v63  }
0x1ff: {  	s9 =	simm.s32 $0x17C00  }
0x200: {  	[tilespmem:s9], [sflag:$0x6] =	stream.indirect_vreg.gather [hbm4b:s8+s3], $0x80, v3, vm0, $0xb8;
	[tilespmem:$0x18400] =	vst v63  }
0x201: {  	_ =	swait.ge [sflag:s15], $0x4000  }
0x202: {  	[sflag:s15] =	ssyncset.done $0x0  }
0x203: {  	s9 =	simm.s32 $0x4400;
	s11 =	rddreg [dreg:$0xd];
	[sflag:s15] =	ssyncadd.s32 $0xFFFFC000  }
0x204: {  	[hbm4b:s11+s3] =	stream.linear.scatter [tilespmem:s9], [sflag:$0x8], $0x4000, $0x38;
	[tilespmem:$0x18400] =	vst v63  }
0x205: {  	_ =	swait.ge [sflag:s22], $0x4000  }
0x206: {  	[sflag:s22] =	ssyncset.done $0x0  }
0x207: {  	[sflag:s22] =	ssyncadd.s32 $0xFFFFC000  }
0x208: {  	v3 =	vld [tilespmem:$0x3C0];
	_ =	sdelay $0x4  }
0x209: {  	v60 =	vshll.u32 v3, $0x3  }
0x20a: {  	v3 =	vand.u32 $0x7, v3;
	v4 =	vand.u32 $0xFFFFFFC0, v60  }
0x20b: {  	v3 =	vor.u32 v3, v4  }
0x20c: {  	v4 =	vperm.xlane v3, v0;
	_ =	sdelay $0x1  }
0x20d: {  	v4 =	vadd.s32 v1, v4;
	_ =	sdelay $0x4  }
0x20e: {  	[tilespmem:s1], [sflag:$0x1] =	stream.indirect_vreg.gather [hbm4b:s2+s3], $0x80, v4, vm0, $0xb8;
	[tilespmem:$0x18400] =	vst v63  }
0x20f: {  	s14 =	simm.s32 $0xC00;
	v3 =	vperm.xlane v3, v2  }
0x210: {  	[tilespmem:s14], [sflag:$0x1] =	stream.indirect_vreg.gather [hbm4b:s5+s3], $0x80, v4, vm0, $0xb8;
	[tilespmem:$0x18400] =	vst v63  }
0x211: {  	s17 =	simm.s32 $0x1400;
	v3 =	vadd.s32 v1, v3  }
0x212: {  	[tilespmem:s17], [sflag:$0x1] =	stream.indirect_vreg.gather [hbm4b:s6+s3], $0x80, v4, vm0, $0xb8;
	[tilespmem:$0x18400] =	vst v63  }
0x213: {  	s20 =	simm.s32 $0x1C00  }
0x214: {  	[tilespmem:s20], [sflag:$0x1] =	stream.indirect_vreg.gather [hbm4b:s8+s3], $0x80, v4, vm0, $0xb8;
	[tilespmem:$0x18400] =	vst v63  }
0x215: {  	s21 =	simm.s32 $0x2400  }
0x216: {  	[tilespmem:s21], [sflag:$0x1] =	stream.indirect_vreg.gather [hbm4b:s2+s3], $0x80, v3, vm0, $0xb8;
	[tilespmem:$0x18400] =	vst v63  }
0x217: {  	s26 =	simm.s32 $0x2C00  }
0x218: {  	[tilespmem:s26], [sflag:$0x1] =	stream.indirect_vreg.gather [hbm4b:s5+s3], $0x80, v3, vm0, $0xb8;
	[tilespmem:$0x18400] =	vst v63  }
0x219: {  	s30 =	simm.s32 $0x3400  }
0x21a: {  	[tilespmem:s30], [sflag:$0x1] =	stream.indirect_vreg.gather [hbm4b:s6+s3], $0x80, v3, vm0, $0xb8;
	[tilespmem:$0x18400] =	vst v63  }
0x21b: {  	s31 =	simm.s32 $0x3C00  }
0x21c: {  	[tilespmem:s31], [sflag:$0x1] =	stream.indirect_vreg.gather [hbm4b:s8+s3], $0x80, v3, vm0, $0xb8;
	[tilespmem:$0x18400] =	vst v63  }
0x21d: {  	_ =	swait.ge [sflag:s10], $0x4000  }
0x21e: {  	[sflag:s10] =	ssyncset.done $0x0  }
0x21f: {  	s14 =	simm.s32 $0x8400;
	s11 =	rddreg [dreg:$0xe];
	[sflag:s10] =	ssyncadd.s32 $0xFFFFC000  }
0x220: {  	[hbm4b:s11+s3] =	stream.linear.scatter [tilespmem:s14], [sflag:$0x9], $0x4000, $0x38;
	[tilespmem:$0x18400] =	vst v63  }
0x221: {  	_ =	swait.ge [sflag:s23], $0x4000  }
0x222: {  	[sflag:s23] =	ssyncset.done $0x0  }
0x223: {  	[sflag:s23] =	ssyncadd.s32 $0xFFFFC000  }
0x224: {  	v3 =	vld [tilespmem:$0x3D0];
	_ =	sdelay $0x4  }
0x225: {  	v61 =	vshll.u32 v3, $0x3  }
0x226: {  	v3 =	vand.u32 $0x7, v3;
	v4 =	vand.u32 $0xFFFFFFC0, v61  }
0x227: {  	v3 =	vor.u32 v3, v4  }
0x228: {  	v4 =	vperm.xlane v3, v0;
	_ =	sdelay $0x1  }
0x229: {  	v4 =	vadd.s32 v1, v4;
	_ =	sdelay $0x4  }
0x22a: {  	[tilespmem:s9], [sflag:$0x2] =	stream.indirect_vreg.gather [hbm4b:s2+s3], $0x80, v4, vm0, $0xb8;
	[tilespmem:$0x18400] =	vst v63  }
0x22b: {  	s13 =	simm.s32 $0x4C00;
	v3 =	vperm.xlane v3, v2  }
0x22c: {  	[tilespmem:s13], [sflag:$0x2] =	stream.indirect_vreg.gather [hbm4b:s5+s3], $0x80, v4, vm0, $0xb8;
	[tilespmem:$0x18400] =	vst v63  }
0x22d: {  	s17 =	simm.s32 $0x5400;
	v3 =	vadd.s32 v1, v3  }
0x22e: {  	[tilespmem:s17], [sflag:$0x2] =	stream.indirect_vreg.gather [hbm4b:s6+s3], $0x80, v4, vm0, $0xb8;
	[tilespmem:$0x18400] =	vst v63  }
0x22f: {  	s20 =	simm.s32 $0x5C00  }
0x230: {  	[tilespmem:s20], [sflag:$0x2] =	stream.indirect_vreg.gather [hbm4b:s8+s3], $0x80, v4, vm0, $0xb8;
	[tilespmem:$0x18400] =	vst v63  }
0x231: {  	s21 =	simm.s32 $0x6400  }
0x232: {  	[tilespmem:s21], [sflag:$0x2] =	stream.indirect_vreg.gather [hbm4b:s2+s3], $0x80, v3, vm0, $0xb8;
	[tilespmem:$0x18400] =	vst v63  }
0x233: {  	s26 =	simm.s32 $0x6C00  }
0x234: {  	[tilespmem:s26], [sflag:$0x2] =	stream.indirect_vreg.gather [hbm4b:s5+s3], $0x80, v3, vm0, $0xb8;
	[tilespmem:$0x18400] =	vst v63  }
0x235: {  	s30 =	simm.s32 $0x7400  }
0x236: {  	[tilespmem:s30], [sflag:$0x2] =	stream.indirect_vreg.gather [hbm4b:s6+s3], $0x80, v3, vm0, $0xb8;
	[tilespmem:$0x18400] =	vst v63  }
0x237: {  	s31 =	simm.s32 $0x7C00  }
0x238: {  	[tilespmem:s31], [sflag:$0x2] =	stream.indirect_vreg.gather [hbm4b:s8+s3], $0x80, v3, vm0, $0xb8;
	[tilespmem:$0x18400] =	vst v63  }
0x239: {  	_ =	swait.ge [sflag:s24], $0x4000  }
0x23a: {  	[sflag:s24] =	ssyncset.done $0x0  }
0x23b: {  	s11 =	simm.s32 $0xC400;
	s0 =	rddreg [dreg:$0xf];
	[sflag:s24] =	ssyncadd.s32 $0xFFFFC000  }
0x23c: {  	[hbm4b:s0+s3] =	stream.linear.scatter [tilespmem:s11], [sflag:$0xA], $0x4000, $0x38;
	[tilespmem:$0x18400] =	vst v63  }
0x23d: {  	_ =	swait.ge [sflag:s18], $0x4000  }
0x23e: {  	[sflag:s18] =	ssyncset.done $0x0  }
0x23f: {  	[sflag:s18] =	ssyncadd.s32 $0xFFFFC000  }
0x240: {  	v3 =	vld [tilespmem:$0x3E0];
	_ =	sdelay $0x4  }
0x241: {  	v62 =	vshll.u32 v3, $0x3  }
0x242: {  	v3 =	vand.u32 $0x7, v3;
	v4 =	vand.u32 $0xFFFFFFC0, v62  }
0x243: {  	v3 =	vor.u32 v3, v4  }
0x244: {  	v4 =	vperm.xlane v3, v0;
	_ =	sdelay $0x1  }
0x245: {  	v4 =	vadd.s32 v1, v4;
	_ =	sdelay $0x4  }
0x246: {  	[tilespmem:s14], [sflag:$0x3] =	stream.indirect_vreg.gather [hbm4b:s2+s3], $0x80, v4, vm0, $0xb8;
	[tilespmem:$0x18400] =	vst v63  }
0x247: {  	s17 =	simm.s32 $0x8C00;
	v3 =	vperm.xlane v3, v2  }
0x248: {  	[tilespmem:s17], [sflag:$0x3] =	stream.indirect_vreg.gather [hbm4b:s5+s3], $0x80, v4, vm0, $0xb8;
	[tilespmem:$0x18400] =	vst v63  }
0x249: {  	s20 =	simm.s32 $0x9400;
	v3 =	vadd.s32 v1, v3  }
0x24a: {  	[tilespmem:s20], [sflag:$0x3] =	stream.indirect_vreg.gather [hbm4b:s6+s3], $0x80, v4, vm0, $0xb8;
	[tilespmem:$0x18400] =	vst v63  }
0x24b: {  	s21 =	simm.s32 $0x9C00  }
0x24c: {  	[tilespmem:s21], [sflag:$0x3] =	stream.indirect_vreg.gather [hbm4b:s8+s3], $0x80, v4, vm0, $0xb8;
	[tilespmem:$0x18400] =	vst v63  }
0x24d: {  	s26 =	simm.s32 $0xA400  }
0x24e: {  	[tilespmem:s26], [sflag:$0x3] =	stream.indirect_vreg.gather [hbm4b:s2+s3], $0x80, v3, vm0, $0xb8;
	[tilespmem:$0x18400] =	vst v63  }
0x24f: {  	s30 =	simm.s32 $0xAC00  }
0x250: {  	[tilespmem:s30], [sflag:$0x3] =	stream.indirect_vreg.gather [hbm4b:s5+s3], $0x80, v3, vm0, $0xb8;
	[tilespmem:$0x18400] =	vst v63  }
0x251: {  	s31 =	simm.s32 $0xB400  }
0x252: {  	[tilespmem:s31], [sflag:$0x3] =	stream.indirect_vreg.gather [hbm4b:s6+s3], $0x80, v3, vm0, $0xb8;
	[tilespmem:$0x18400] =	vst v63  }
0x253: {  	s13 =	simm.s32 $0xBC00  }
0x254: {  	[tilespmem:s13], [sflag:$0x3] =	stream.indirect_vreg.gather [hbm4b:s8+s3], $0x80, v3, vm0, $0xb8;
	[tilespmem:$0x18400] =	vst v63  }
0x255: {  	_ =	swait.ge [sflag:s25], $0x4000  }
0x256: {  	[sflag:s25] =	ssyncset.done $0x0  }
0x257: {  	s17 =	rddreg [dreg:$0x10];
	[sflag:s25] =	ssyncadd.s32 $0xFFFFC000  }
0x258: {  	[hbm4b:s17+s3] =	stream.linear.scatter [tilespmem:s4], [sflag:$0xB], $0x4000, $0x38;
	[tilespmem:$0x18400] =	vst v63  }
0x259: {  	_ =	swait.ge [sflag:s12], $0x4000  }
0x25a: {  	[sflag:s12] =	ssyncset.done $0x0  }
0x25b: {  	[sflag:s12] =	ssyncadd.s32 $0xFFFFC000  }
0x25c: {  	v3 =	vld [tilespmem:$0x3F0];
	_ =	sdelay $0x4  }
0x25d: {  	v63 =	vshll.u32 v3, $0x3  }
0x25e: {  	v3 =	vand.u32 $0x7, v3;
	v4 =	vand.u32 $0xFFFFFFC0, v63  }
0x25f: {  	v3 =	vor.u32 v3, v4  }
0x260: {  	v4 =	vperm.xlane v3, v0;
	_ =	sdelay $0x1  }
0x261: {  	v4 =	vadd.s32 v1, v4;
	_ =	sdelay $0x4  }
0x262: {  	[tilespmem:s11], [sflag:$0x4] =	stream.indirect_vreg.gather [hbm4b:s2+s3], $0x80, v4, vm0, $0xb8;
	[tilespmem:$0x18400] =	vst v63  }
0x263: {  	s20 =	simm.s32 $0xCC00;
	v3 =	vperm.xlane v3, v2  }
0x264: {  	[tilespmem:s20], [sflag:$0x4] =	stream.indirect_vreg.gather [hbm4b:s5+s3], $0x80, v4, vm0, $0xb8;
	[tilespmem:$0x18400] =	vst v63  }
0x265: {  	s21 =	simm.s32 $0xD400;
	v3 =	vadd.s32 v1, v3  }
0x266: {  	[tilespmem:s21], [sflag:$0x4] =	stream.indirect_vreg.gather [hbm4b:s6+s3], $0x80, v4, vm0, $0xb8;
	[tilespmem:$0x18400] =	vst v63  }
0x267: {  	s26 =	simm.s32 $0xDC00  }
0x268: {  	[tilespmem:s26], [sflag:$0x4] =	stream.indirect_vreg.gather [hbm4b:s8+s3], $0x80, v4, vm0, $0xb8;
	[tilespmem:$0x18400] =	vst v63  }
0x269: {  	s30 =	simm.s32 $0xE400  }
0x26a: {  	[tilespmem:s30], [sflag:$0x4] =	stream.indirect_vreg.gather [hbm4b:s2+s3], $0x80, v3, vm0, $0xb8;
	[tilespmem:$0x18400] =	vst v63  }
0x26b: {  	s31 =	simm.s32 $0xEC00  }
0x26c: {  	[tilespmem:s31], [sflag:$0x4] =	stream.indirect_vreg.gather [hbm4b:s5+s3], $0x80, v3, vm0, $0xb8;
	[tilespmem:$0x18400] =	vst v63  }
0x26d: {  	s4 =	simm.s32 $0xF400  }
0x26e: {  	[tilespmem:s4], [sflag:$0x4] =	stream.indirect_vreg.gather [hbm4b:s6+s3], $0x80, v3, vm0, $0xb8;
	[tilespmem:$0x18400] =	vst v63  }
0x26f: {  	s13 =	simm.s32 $0xFC00  }
0x270: {  	[tilespmem:s13], [sflag:$0x4] =	stream.indirect_vreg.gather [hbm4b:s8+s3], $0x80, v3, vm0, $0xb8;
	[tilespmem:$0x18400] =	vst v63  }
0x271: {  	_ =	swait.ge [sflag:s28], $0x4000  }
0x272: {  	[sflag:s28] =	ssyncset.done $0x0  }
0x273: {  	s17 =	rddreg [dreg:$0x11];
	[sflag:s28] =	ssyncadd.s32 $0xFFFFC000  }
0x274: {  	[hbm4b:s17+s3] =	stream.linear.scatter [tilespmem:s7], [sflag:$0xC], $0x4000, $0x38;
	[tilespmem:$0x18400] =	vst v63  }
0x275: {  	_ =	swait.ge [sflag:s16], $0x4000  }
0x276: {  	[sflag:s16] =	ssyncset.done $0x0  }
0x277: {  	s20 =	rddreg [dreg:$0x12];
	[sflag:s16] =	ssyncadd.s32 $0xFFFFC000  }
0x278: {  	[hbm4b:s20+s3] =	stream.linear.scatter [tilespmem:s1], [sflag:$0x7], $0x4000, $0x38;
	[tilespmem:$0x18400] =	vst v63  }
0x279: {  	_ =	swait.ge [sflag:s15], $0x4000  }
0x27a: {  	[sflag:s15] =	ssyncset.done $0x0  }
0x27b: {  	s21 =	rddreg [dreg:$0x13];
	[sflag:s15] =	ssyncadd.s32 $0xFFFFC000  }
0x27c: {  	[hbm4b:s21+s3] =	stream.linear.scatter [tilespmem:s9], [sflag:$0x8], $0x4000, $0x38;
	[tilespmem:$0x18400] =	vst v63  }
0x27d: {  	_ =	swait.ge [sflag:s10], $0x4000  }
0x27e: {  	[sflag:s10] =	ssyncset.done $0x0  }
0x27f: {  	s26 =	rddreg [dreg:$0x14];
	[sflag:s10] =	ssyncadd.s32 $0xFFFFC000  }
0x280: {  	[hbm4b:s26+s3] =	stream.linear.scatter [tilespmem:s14], [sflag:$0x9], $0x4000, $0x38;
	[tilespmem:$0x18400] =	vst v63  }
0x281: {  	_ =	swait.ge [sflag:s24], $0x4000  }
0x282: {  	[sflag:s24] =	ssyncset.done $0x0  }
0x283: {  	s30 =	rddreg [dreg:$0x15];
	[sflag:s24] =	ssyncadd.s32 $0xFFFFC000  }
0x284: {  	[hbm4b:s30+s3] =	stream.linear.scatter [tilespmem:s11], [sflag:$0xA], $0x4000, $0x38;
	[tilespmem:$0x18400] =	vst v63  }
0x285: {  	_ =	swait.ge [sflag:s19], $0x4000  }
0x286: {  	[sflag:s19] =	ssyncset.done $0x0  }
0x287: {  	[sflag:s19] =	ssyncadd.s32 $0xFFFFC000  }
0x288: {  	_ =	swait.ge [sflag:s29], $0x4000  }
0x289: {  	[sflag:s29] =	ssyncset.done $0x0  }
0x28a: {  	[sflag:s29] =	ssyncadd.s32 $0xFFFFC000  }
0x28b: {  	_ =	swait.ge [sflag:s22], $0x4000  }
0x28c: {  	[sflag:s22] =	ssyncset.done $0x0  }
0x28d: {  	[sflag:s22] =	ssyncadd.s32 $0xFFFFC000  }
0x28e: {  	_ =	swait.ge [sflag:s23], $0x4000  }
0x28f: {  	[sflag:s23] =	ssyncset.done $0x0  }
0x290: {  	[sflag:s23] =	ssyncadd.s32 $0xFFFFC000  }
0x291: {  	_ =	swait.ge [sflag:s18], $0x4000  }
0x292: {  	[sflag:s18] =	ssyncset.done $0x0  }
0x293: {  	[sflag:s18] =	ssyncadd.s32 $0xFFFFC000  }
0x294: {  	_ =	swait.ge [sflag:s12], $0x4000  }
0x295: {  	s20 =	rddreg [dreg:$0x17]  }
0x296: {  	s31 =	rddreg [dreg:$0x16];
	s20 =	sadd.s32 $0x1, s20  }
0x297: {  	p0 =	sne.s32 s20, s31  }
.Ltmp1:
0x298: {  	_ = 	snop;
	(pc) =	sbr.rel @p0 .LBB2_1-.Ltmp1, $3  }
0x299: {  	_ =	sdelay $0x1  }
0x29a: {  	s0 =	simm.s32 $0x10C00;
	s1 =	simm.s32 $0x11400;
	[sflag:s12] =	ssyncset.done $0x0  }
0x29b: {  	s21 =	simm.s32 $0x12400;
	s14 =	simm.s32 $0x11C00;
	[sflag:s12] =	ssyncadd.s32 $0xFFFFC000  }
0x29c: {  	_ =	sfence.sel $0x180000  }
0x29d: {  	[bflag:$0x0] =	sbarrier.arrive $0xFFFF  }
0x29e: {  	_ =	strace $0x90000047  }
0x29f: {  	s0 =	stileid.u32;
	[bflag:$0x2] =	sbarrier.arrive $0xFFFF  }
0x2a0: {  	p0 =	sne.s32 s0, $0x0;
	s0 =	rddreg [dreg:$0x3]  }
0x2a1: {  	s0 =	sadd.s32 @!p0 $0x100000, s0  }
0x2a2: {  	[sflag:s0] =	ssyncadd.tile.s32 @!p0 $0x1;
	_ =	shalt  }
.Lfunc_end2:
_tile_overlayer_lowered:
.L_overlay_start_2:
0x2a3: {  	(tag) =	ssettag $0x2  }
0x2a4: {  	s0 =	rddreg [dreg:$0x0];
	s2 =	stileid.u32  }
0x2a5: {  	s1 =	rddreg [dreg:$0x1];
	p0 =	sne.s32 s2, $0x0  }
0x2a6: {  	s3 =	rddreg [dreg:$0x2];
	[bflag:$0x3] =	sbarrier.arrive $0xFFFF;
	s2 =	simm.s32 @!p0 $0x1C0D  }
0x2a7: {  	[timem:s3], [sflag:s2] =	dma.local @!p0 [hbm:s0], s1  }
0x2a8: {  	s0 =	simm.s32 @!p0 $0xD  }
0x2a9: {  	_ =	swait.ge @!p0 [sflag:s0], s1  }
0x2aa: {  	s1 =	ssub.s32 @!p0 $0x0, s1;
	[sflag:s0] =	ssyncset.done @!p0 $0x0  }
0x2ab: {  	[sflag:s0] =	ssyncadd.s32 @!p0 s1  }
0x2ac: {  	[bflag:$0x3] =	sbarrier.arrive $0xFFFF  }
0x2ad: {  	_ =	shalt  }

</sc_bundles>
